<compile_context>
chip_gen: v7x
topology: tpu7x:2x2x1
jax: 0.10.2.dev20260603
libtpu: 0.0.44.dev20260713+nightly
codegen_flags: <defaults>
</compile_context>

<pallas_src>
import functools

import jax
import jax.numpy as jnp
from jax import lax
from jax.experimental import pallas as pl
from jax.experimental.pallas import tpu as pltpu
from jax.experimental.pallas import tpu_sc as plsc

NC = 2
NS = 16
NW = NC * NS
LANES = 16


def _xproj_body(wx_ref, wg_ref, bg_ref, g_ref, x_ref, px_ref, pg_ref):
    px_ref[...] = lax.dot_general(
        wx_ref[...], x_ref[...], (((1,), (1,)), ((), ())),
        preferred_element_type=jnp.float32)

    @pl.when(pl.program_id(0) == 0)
    def _():
        pg_ref[...] = lax.dot_general(
            wg_ref[...], g_ref[...], (((1,), (1,)), ((), ())),
            preferred_element_type=jnp.float32) + bg_ref[...]


def _sc_edge_body(ps_hbm, pd_hbm, pge_hbm, we_hbm, e_hbm, src_hbm, dst_hbm,
                  eidx_hbm, zeros_hbm,
                  eo_hbm, e2n_hbm, eg_hbm,
                  ps_v, pd_v, acc_v, pge_v, we_v, eg_v,
                  src_v, dst_v, eidx_v, eo_v, e_v,
                  nv_lo, extra, n_rows, de):
    vpu = 8 * 128 // (de * LANES)
    c = lax.axis_index("c")
    s = lax.axis_index("s")
    wid = s * NC + c
    is_hi = wid < extra
    base = jnp.where(is_hi, wid * (nv_lo + vpu),
                     wid * nv_lo + extra * vpu) * LANES
    nv0 = (nv_lo // 2) & ~3
    eb0 = nv0 * LANES
    nv1_hi = nv_lo + vpu - nv0
    nv1_lo = nv_lo - nv0
    eb_hi = (nv_lo + vpu) * LANES
    eb_lo = nv_lo * LANES
    pltpu.sync_copy(ps_hbm, ps_v)
    pltpu.sync_copy(pd_hbm, pd_v)
    pltpu.sync_copy(pge_hbm, pge_v)
    pltpu.sync_copy(we_hbm, we_v)
    pltpu.sync_copy(zeros_hbm, acc_v)
    pl.when(is_hi)(lambda: _stage(src_hbm, dst_hbm, eidx_hbm,
                                  src_v, dst_v, eidx_v, base, eb_hi))
    pl.when(jnp.logical_not(is_hi))(
        lambda: _stage(src_hbm, dst_hbm, eidx_hbm,
                       src_v, dst_v, eidx_v, base, eb_lo))
    zero16 = jnp.zeros((LANES,), jnp.float32)
    for i in range(0, 128, LANES):
        eg_v[pl.ds(i, LANES)] = zero16

    iota = lax.iota(jnp.int32, LANES)
    il16 = iota * de
    wvec = we_v[pl.ds(0, LANES)]
    wes = [wvec[d] for d in range(de)]

    def body_at(off_vec):
        def body(j, carry):
            o = j * LANES
            go = off_vec * LANES + o
            s16 = src_v[pl.ds(go, LANES)]
            d16 = dst_v[pl.ds(go, LANES)]
            g16 = eidx_v[pl.ds(go, LANES)]
            rb16 = il16 + o * de
            r16 = rb16 >> 7
            cb16 = rb16 & 127
            val = (plsc.load_gather(ps_v, [s16])
                   + plsc.load_gather(pd_v, [d16])
                   + plsc.load_gather(pge_v, [g16]))
            for d in range(de):
                val = val + wes[d] * plsc.load_gather(e_v, [r16, cb16 + d])
            eo_v[pl.ds(go, LANES)] = val
            plsc.addupdate_scatter(acc_v, [d16 >> 7, d16 & 127], val)
            plsc.addupdate_scatter(eg_v, [g16], val)
            return carry
        return body

    row0 = pl.multiple_of(base * de // 128, 8)
    row1 = pl.multiple_of((base + eb0) * de // 128, 8)
    pltpu.sync_copy(e_hbm.at[pl.ds(row0, eb0 * de // 128)],
                    e_v.at[pl.ds(0, eb0 * de // 128)])
    lax.fori_loop(0, nv0, body_at(0), 0)
    pl.when(is_hi)(lambda: pltpu.sync_copy(
        e_hbm.at[pl.ds(row1, (eb_hi - eb0) * de // 128)],
        e_v.at[pl.ds(0, (eb_hi - eb0) * de // 128)]))
    pl.when(jnp.logical_not(is_hi))(lambda: pltpu.sync_copy(
        e_hbm.at[pl.ds(row1, (eb_lo - eb0) * de // 128)],
        e_v.at[pl.ds(0, (eb_lo - eb0) * de // 128)]))
    nv1 = jnp.where(is_hi, nv1_hi, nv1_lo)
    lax.fori_loop(0, nv1, body_at(nv0), 0)

    pl.when(is_hi)(lambda: pltpu.sync_copy(
        eo_v.at[pl.ds(0, eb_hi)], eo_hbm.at[pl.ds(base, eb_hi)]))
    pl.when(jnp.logical_not(is_hi))(lambda: pltpu.sync_copy(
        eo_v.at[pl.ds(0, eb_lo)], eo_hbm.at[pl.ds(base, eb_lo)]))
    pltpu.sync_copy(acc_v, e2n_hbm.at[pl.ds(wid * n_rows, n_rows)])
    pltpu.sync_copy(eg_v, eg_hbm.at[wid])


def _stage(src_hbm, dst_hbm, eidx_hbm, src_v, dst_v, eidx_v, base, eb):
    pltpu.sync_copy(src_hbm.at[pl.ds(base, eb)], src_v.at[pl.ds(0, eb)])
    pltpu.sync_copy(dst_hbm.at[pl.ds(base, eb)], dst_v.at[pl.ds(0, eb)])
    pltpu.sync_copy(eidx_hbm.at[pl.ds(base, eb)], eidx_v.at[pl.ds(0, eb)])


def _finish_body(parts_ref, pxnb_ref, nid_ref, gproj_ref, egp_ref,
                 scal_ref, node_ref, glob_ref, n_rows, n_glob):
    wn_a = scal_ref[0]
    wg_n = scal_ref[1]
    wg_e = scal_ref[2]
    b_n = scal_ref[3]
    e2n = parts_ref[0:n_rows, :]
    for w in range(1, NW):
        e2n = e2n + parts_ref[w * n_rows:(w + 1) * n_rows, :]
    nid = nid_ref[...]
    pxnb = pxnb_ref[...] + b_n
    pgn_full = jnp.zeros_like(pxnb)
    for sg in range(n_glob):
        pgn_full = pgn_full + jnp.where(nid == sg, gproj_ref[1, sg], 0.0)
    node_out = pxnb + pgn_full + wn_a * e2n
    node_ref[...] = node_out
    lane = lax.broadcasted_iota(jnp.int32, (1, 128), 1)
    n2g = jnp.zeros((1, 128), jnp.float32)
    for sg in range(n_glob):
        val = jnp.sum(jnp.where(nid == sg, node_out, 0.0))
        n2g = n2g + jnp.where(lane == sg, val, 0.0)
    e2g = jnp.sum(egp_ref[...], axis=0, keepdims=True)
    glob = (gproj_ref[2:3, 0:n_glob] + wg_n * n2g[:, 0:n_glob]
            + wg_e * e2g[:, 0:n_glob])
    glob_ref[...] = jnp.broadcast_to(glob, (8, n_glob))


def kernel(x, e, g, edges, node_idx, edge_idx,
           W_edge, b_edge, W_node, b_node, W_glob, b_glob):
    n, dn = x.shape
    ne, de = e.shape
    ng, dg = g.shape
    npad = ((n + 2047) // 2048) * 2048
    n_rows = npad // 128
    unit = 8 * 128 // de
    vpu = unit // LANES
    assert ne % unit == 0
    units = ne // unit
    u_lo = units // NW
    extra = units - u_lo * NW
    nv_lo = u_lo * vpu
    eb_max = (nv_lo + vpu) * LANES
    nv0 = (nv_lo // 2) & ~3
    e_half = (nv_lo + vpu - nv0) * LANES

    f32 = jnp.float32
    i32 = jnp.int32
    w_x = jnp.zeros((8, dn), f32)
    w_x = w_x.at[0].set(W_edge[0, de:de + dn])
    w_x = w_x.at[1].set(W_edge[0, de + dn:de + 2 * dn])
    w_x = w_x.at[2].set(W_node[0, :dn])
    w_g = jnp.zeros((8, dg), f32)
    w_g = w_g.at[0].set(W_edge[0, de + 2 * dn:])
    w_g = w_g.at[1].set(W_node[0, dn:dn + dg])
    w_g = w_g.at[2].set(W_glob[0, :dg])
    b_g = jnp.zeros((8, 1), f32).at[0].set(b_edge[0]).at[2].set(b_glob[0])

    xblk = 2048
    px8, pg8 = pl.pallas_call(
        _xproj_body,
        grid=(npad // xblk,),
        in_specs=[
            pl.BlockSpec((8, dn), lambda i: (0, 0)),
            pl.BlockSpec((8, dg), lambda i: (0, 0)),
            pl.BlockSpec((8, 1), lambda i: (0, 0)),
            pl.BlockSpec((ng, dg), lambda i: (0, 0)),
            pl.BlockSpec((xblk, dn), lambda i: (i, 0)),
        ],
        out_specs=[
            pl.BlockSpec((8, xblk), lambda i: (0, i)),
            pl.BlockSpec((8, ng), lambda i: (0, 0)),
        ],
        out_shape=[
            jax.ShapeDtypeStruct((8, npad), f32),
            jax.ShapeDtypeStruct((8, ng), f32),
        ],
    )(w_x, w_g, b_g, g, x)
    ps = px8[0]
    pd = px8[1]
    pxn = px8[2]

    nidp = jnp.full((npad,), ng, i32).at[:n].set(node_idx)
    pge128 = jnp.zeros((128,), f32).at[:ng].set(pg8[0])
    we16 = jnp.zeros((128,), f32).at[:de].set(W_edge[0, :de])
    zeros_n = jnp.zeros((n_rows, 128), f32)

    mesh = plsc.VectorSubcoreMesh(core_axis_name="c", subcore_axis_name="s",
                                  num_cores=NC, num_subcores=NS)
    sc_edge = pl.kernel(
        functools.partial(_sc_edge_body, nv_lo=nv_lo, extra=extra,
                          n_rows=n_rows, de=de),
        out_type=[
            jax.ShapeDtypeStruct((ne,), f32),
            jax.ShapeDtypeStruct((NW * n_rows, 128), f32),
            jax.ShapeDtypeStruct((NW, 128), f32),
        ],
        mesh=mesh,
        compiler_params=pltpu.CompilerParams(needs_layout_passes=False),
        scratch_types=[
            pltpu.VMEM((npad,), f32),
            pltpu.VMEM((npad,), f32),
            pltpu.VMEM((n_rows, 128), f32),
            pltpu.VMEM((128,), f32),
            pltpu.VMEM((128,), f32),
            pltpu.VMEM((128,), f32),
            pltpu.VMEM((eb_max,), i32),
            pltpu.VMEM((eb_max,), i32),
            pltpu.VMEM((eb_max,), i32),
            pltpu.VMEM((eb_max,), f32),
            pltpu.VMEM((e_half * de // 128, 128), f32),
        ],
    )
    eo, e2n_parts, eg_parts = sc_edge(
        ps, pd, pge128, we16, e.reshape(ne * de // 128, 128), edges[0],
        edges[1], edge_idx, zeros_n)

    scal = jnp.stack([W_node[0, dn + dg], W_glob[0, dg], W_glob[0, dg + 1],
                      b_node[0]])
    node2, glob8 = pl.pallas_call(
        functools.partial(_finish_body, n_rows=n_rows, n_glob=ng),
        in_specs=[
            pl.BlockSpec(memory_space=pltpu.VMEM),
            pl.BlockSpec(memory_space=pltpu.VMEM),
            pl.BlockSpec(memory_space=pltpu.VMEM),
            pl.BlockSpec(memory_space=pltpu.VMEM),
            pl.BlockSpec(memory_space=pltpu.VMEM),
            pl.BlockSpec(memory_space=pltpu.SMEM),
        ],
        out_shape=[
            jax.ShapeDtypeStruct((n_rows, 128), f32),
            jax.ShapeDtypeStruct((8, ng), f32),
        ],
    )(e2n_parts, pxn.reshape(n_rows, 128), nidp.reshape(n_rows, 128),
      pg8, eg_parts, scal)

    edge_out = eo[:, None]
    node_out = node2.reshape(npad)[:n, None]
    glob_out = glob8[0][:, None]
    return (edge_out, node_out, glob_out)

# --- scband reference (transcript-rebuilt; emitter-appended) ---
"""Pipeline reference for scband-flow-25735444038277 (READ-ONLY COPY).

The authoritative reference and input builder live on the scoring server;
editing this copy changes nothing except your own understanding.
"""

import jax, jax.numpy as jnp
import numpy as np

N = 10000
E = 160000
DN = 256
DE = 16
DG = 128
G = 16


def setup_inputs(seed: int = 0) -> dict:
    key = jax.random.key(seed)
    ks = [jax.random.fold_in(key, i) for i in range(12)]
    x = jax.random.normal(ks[0], (N, DN), dtype=jnp.float32)
    e = jax.random.normal(ks[1], (E, DE), dtype=jnp.float32)
    g = jax.random.normal(ks[2], (G, DG), dtype=jnp.float32)
    edges = jax.random.randint(ks[3], (2, E), 0, N, dtype=jnp.int32)
    node_idx = jnp.sort(jax.random.randint(ks[4], (N,), 0, G, dtype=jnp.int32))
    edge_idx = jnp.sort(jax.random.randint(ks[5], (E,), 0, G, dtype=jnp.int32))
    d_edge_in = DE + 2 * DN + DG  # e, x[src], x[dst], g[edge_idx]
    d_node_in = DN + DG + 1       # x, g[node_idx], edge->node agg
    d_glob_in = DG + 1 + 1        # g, node->glob agg, edge->glob agg
    W_edge = jax.random.normal(ks[6], (1, d_edge_in), dtype=jnp.float32) / np.sqrt(d_edge_in)
    b_edge = jnp.zeros((1,), dtype=jnp.float32)
    W_node = jax.random.normal(ks[7], (1, d_node_in), dtype=jnp.float32) / np.sqrt(d_node_in)
    b_node = jnp.zeros((1,), dtype=jnp.float32)
    W_glob = jax.random.normal(ks[8], (1, d_glob_in), dtype=jnp.float32) / np.sqrt(d_glob_in)
    b_glob = jnp.zeros((1,), dtype=jnp.float32)
    return {
        "x": x, "e": e, "g": g,
        "edges": edges, "node_idx": node_idx, "edge_idx": edge_idx,
        "W_edge": W_edge, "b_edge": b_edge,
        "W_node": W_node, "b_node": b_node,
        "W_glob": W_glob, "b_glob": b_glob,
    }


def reference(x, e, g, edges, node_idx, edge_idx,
              W_edge, b_edge, W_node, b_node, W_glob, b_glob):
    n_nodes = x.shape[0]
    n_glob = g.shape[0]
    src = edges[0]
    dst = edges[1]
    # edge update: cat([e, x[src], x[dst], g[edge_idx]]) -> Linear(.,1)
    edge_in = jnp.concatenate([e, x[src], x[dst], g[edge_idx]], axis=1)
    edge_out = edge_in @ W_edge.T + b_edge  # [E, 1]
    # edge -> node aggregation (scatter-add over dst)
    e2n = jax.ops.segment_sum(edge_out, dst, num_segments=n_nodes)  # [N, 1]
    # node update: cat([x, g[node_idx], e2n]) -> Linear(.,1)
    node_in = jnp.concatenate([x, g[node_idx], e2n], axis=1)
    node_out = node_in @ W_node.T + b_node  # [N, 1]
    # node -> glob and edge -> glob aggregations
    n2g = jax.ops.segment_sum(node_out, node_idx, num_segments=n_glob)  # [G, 1]
    e2g = jax.ops.segment_sum(edge_out, edge_idx, num_segments=n_glob)  # [G, 1]
    # glob update: cat([g, n2g, e2g]) -> Linear(.,1)
    glob_in = jnp.concatenate([g, n2g, e2g], axis=1)
    glob_out = glob_in @ W_glob.T + b_glob  # [G, 1]
    return (edge_out, node_out, glob_out)

if __name__ == "__main__":
    import jax
    _d = setup_inputs()
    print(jax.jit(kernel)(*tuple(_d.values())))

</pallas_src>

<mosaic_0001>
#map = affine_map<(d0, d1) -> (0)>
#map1 = affine_map<(d0, d1) -> (0, 0)>
module attributes {stable_mosaic.version = 14 : i64} {
  func.func @_sc_edge_body(%arg0: i32, %arg1: i32, %arg2: memref<10240xf32, #tpu.memory_space<hbm>>, %arg3: memref<10240xf32, #tpu.memory_space<hbm>>, %arg4: memref<128xf32, #tpu.memory_space<hbm>>, %arg5: memref<128xf32, #tpu.memory_space<hbm>>, %arg6: memref<20000x128xf32, #tpu.memory_space<hbm>>, %arg7: memref<160000xi32, #tpu.memory_space<hbm>>, %arg8: memref<160000xi32, #tpu.memory_space<hbm>>, %arg9: memref<160000xi32, #tpu.memory_space<hbm>>, %arg10: memref<80x128xf32, #tpu.memory_space<hbm>>, %arg11: memref<160000xf32, #tpu.memory_space<hbm>>, %arg12: memref<2560x128xf32, #tpu.memory_space<hbm>>, %arg13: memref<32x128xf32, #tpu.memory_space<hbm>>, %arg14: memref<10240xf32, #tpu.memory_space<vmem>>, %arg15: memref<10240xf32, #tpu.memory_space<vmem>>, %arg16: memref<80x128xf32, #tpu.memory_space<vmem>>, %arg17: memref<128xf32, #tpu.memory_space<vmem>>, %arg18: memref<128xf32, #tpu.memory_space<vmem>>, %arg19: memref<128xf32, #tpu.memory_space<vmem>>, %arg20: memref<5056xi32, #tpu.memory_space<vmem>>, %arg21: memref<5056xi32, #tpu.memory_space<vmem>>, %arg22: memref<5056xi32, #tpu.memory_space<vmem>>, %arg23: memref<5056xf32, #tpu.memory_space<vmem>>, %arg24: memref<320x128xf32, #tpu.memory_space<vmem>>) attributes {dimension_semantics = [#tpu.dimension_semantics<core_parallel>, #tpu.dimension_semantics<subcore_parallel>], iteration_bounds = array<i64: 2, 16>, scalar_prefetch = 0 : i64, scratch_operands = 11 : i64, tpu.core_type = #tpu.core_type<sc_vector_subcore>, window_params = [{transform_indices = #map}, {transform_indices = #map}, {transform_indices = #map}, {transform_indices = #map}, {transform_indices = #map1}, {transform_indices = #map}, {transform_indices = #map}, {transform_indices = #map}, {transform_indices = #map1}, {transform_indices = #map}, {transform_indices = #map1}, {transform_indices = #map1}]} {
    %mul3A = arith.constant 2 : i32
    %mul3A_0 = arith.muli %arg1, %mul3A : i32
    %add3A = arith.addi %mul3A_0, %arg0 : i32
    %lt3A = arith.constant 4 : i32
    %lt3A_1 = arith.cmpi slt, %add3A, %lt3A : i32
    %mul3A_2 = arith.constant 316 : i32
    %mul3A_3 = arith.muli %add3A, %mul3A_2 : i32
    %mul3A_4 = arith.constant 312 : i32
    %mul3A_5 = arith.muli %add3A, %mul3A_4 : i32
    %add3A_6 = arith.constant 16 : i32
    %add3A_7 = arith.addi %mul3A_5, %add3A_6 : i32
    %select_n3A = arith.select %lt3A_1, %mul3A_3, %add3A_7 : i32
    %mul3A_8 = arith.constant 16 : i32
    %mul3A_9 = arith.muli %select_n3A, %mul3A_8 : i32
    "tpu.region"() ({
      %run_scoped3A = tpu.sem_alloc : memref<!tpu.dma_semaphore, #tpu.memory_space<semaphore_mem>>
      tpu.enqueue_dma source(%arg2 : memref<10240xf32, #tpu.memory_space<hbm>>) target(%arg14 : memref<10240xf32, #tpu.memory_space<vmem>>) target_semaphore(%run_scoped3A : memref<!tpu.dma_semaphore, #tpu.memory_space<semaphore_mem>>)
      tpu.wait_dma2 semaphore(%run_scoped3A : memref<!tpu.dma_semaphore, #tpu.memory_space<semaphore_mem>>) src(%arg2 : memref<10240xf32, #tpu.memory_space<hbm>>) dst(%arg14 : memref<10240xf32, #tpu.memory_space<vmem>>)
      tpu.yield
    }) : () -> ()
    "tpu.region"() ({
      %run_scoped3A = tpu.sem_alloc : memref<!tpu.dma_semaphore, #tpu.memory_space<semaphore_mem>>
      tpu.enqueue_dma source(%arg3 : memref<10240xf32, #tpu.memory_space<hbm>>) target(%arg15 : memref<10240xf32, #tpu.memory_space<vmem>>) target_semaphore(%run_scoped3A : memref<!tpu.dma_semaphore, #tpu.memory_space<semaphore_mem>>)
      tpu.wait_dma2 semaphore(%run_scoped3A : memref<!tpu.dma_semaphore, #tpu.memory_space<semaphore_mem>>) src(%arg3 : memref<10240xf32, #tpu.memory_space<hbm>>) dst(%arg15 : memref<10240xf32, #tpu.memory_space<vmem>>)
      tpu.yield
    }) : () -> ()
    "tpu.region"() ({
      %run_scoped3A = tpu.sem_alloc : memref<!tpu.dma_semaphore, #tpu.memory_space<semaphore_mem>>
      tpu.enqueue_dma source(%arg4 : memref<128xf32, #tpu.memory_space<hbm>>) target(%arg17 : memref<128xf32, #tpu.memory_space<vmem>>) target_semaphore(%run_scoped3A : memref<!tpu.dma_semaphore, #tpu.memory_space<semaphore_mem>>)
      tpu.wait_dma2 semaphore(%run_scoped3A : memref<!tpu.dma_semaphore, #tpu.memory_space<semaphore_mem>>) src(%arg4 : memref<128xf32, #tpu.memory_space<hbm>>) dst(%arg17 : memref<128xf32, #tpu.memory_space<vmem>>)
      tpu.yield
    }) : () -> ()
    "tpu.region"() ({
      %run_scoped3A = tpu.sem_alloc : memref<!tpu.dma_semaphore, #tpu.memory_space<semaphore_mem>>
      tpu.enqueue_dma source(%arg5 : memref<128xf32, #tpu.memory_space<hbm>>) target(%arg18 : memref<128xf32, #tpu.memory_space<vmem>>) target_semaphore(%run_scoped3A : memref<!tpu.dma_semaphore, #tpu.memory_space<semaphore_mem>>)
      tpu.wait_dma2 semaphore(%run_scoped3A : memref<!tpu.dma_semaphore, #tpu.memory_space<semaphore_mem>>) src(%arg5 : memref<128xf32, #tpu.memory_space<hbm>>) dst(%arg18 : memref<128xf32, #tpu.memory_space<vmem>>)
      tpu.yield
    }) : () -> ()
    "tpu.region"() ({
      %run_scoped3A = tpu.sem_alloc : memref<!tpu.dma_semaphore, #tpu.memory_space<semaphore_mem>>
      tpu.enqueue_dma source(%arg10 : memref<80x128xf32, #tpu.memory_space<hbm>>) target(%arg16 : memref<80x128xf32, #tpu.memory_space<vmem>>) target_semaphore(%run_scoped3A : memref<!tpu.dma_semaphore, #tpu.memory_space<semaphore_mem>>)
      tpu.wait_dma2 semaphore(%run_scoped3A : memref<!tpu.dma_semaphore, #tpu.memory_space<semaphore_mem>>) src(%arg10 : memref<80x128xf32, #tpu.memory_space<hbm>>) dst(%arg16 : memref<80x128xf32, #tpu.memory_space<vmem>>)
      tpu.yield
    }) : () -> ()
    %convert_element_type3A = arith.extui %lt3A_1 : i1 to i32
    %cond3A = arith.constant 0 : i32
    %cond3A_10 = arith.cmpi ne, %convert_element_type3A, %cond3A : i32
    scf.if %cond3A_10 {
      "tpu.region"() ({
        %run_scoped3A = tpu.sem_alloc : memref<!tpu.dma_semaphore, #tpu.memory_space<semaphore_mem>>
        %dma_start3A = arith.constant 0 : i32
        %dma_start3A_148 = tpu.memref_slice %arg20[%dma_start3A] : memref<5056xi32, #tpu.memory_space<vmem>> -> memref<5056xi32, #tpu.memory_space<vmem>>
        %dma_start3A_149 = tpu.memref_slice %arg7[%mul3A_9] : memref<160000xi32, #tpu.memory_space<hbm>> -> memref<5056xi32, #tpu.memory_space<hbm>>
        %dma_start3A_150 = arith.constant 0 : i32
        %dma_start3A_151 = tpu.memref_slice %arg20[%dma_start3A_150] : memref<5056xi32, #tpu.memory_space<vmem>> -> memref<5056xi32, #tpu.memory_space<vmem>>
        %dma_start3A_152 = tpu.memref_slice %arg7[%mul3A_9] : memref<160000xi32, #tpu.memory_space<hbm>> -> memref<5056xi32, #tpu.memory_space<hbm>>
        tpu.enqueue_dma source(%dma_start3A_152 : memref<5056xi32, #tpu.memory_space<hbm>>) target(%dma_start3A_151 : memref<5056xi32, #tpu.memory_space<vmem>>) target_semaphore(%run_scoped3A : memref<!tpu.dma_semaphore, #tpu.memory_space<semaphore_mem>>)
        %dma_wait3A = arith.constant 0 : i32
        %dma_wait3A_153 = tpu.memref_slice %arg20[%dma_wait3A] : memref<5056xi32, #tpu.memory_space<vmem>> -> memref<5056xi32, #tpu.memory_space<vmem>>
        %dma_wait3A_154 = tpu.memref_slice %arg7[%mul3A_9] : memref<160000xi32, #tpu.memory_space<hbm>> -> memref<5056xi32, #tpu.memory_space<hbm>>
        %dma_wait3A_155 = arith.constant 0 : i32
        %dma_wait3A_156 = tpu.memref_slice %arg20[%dma_wait3A_155] : memref<5056xi32, #tpu.memory_space<vmem>> -> memref<5056xi32, #tpu.memory_space<vmem>>
        %dma_wait3A_157 = tpu.memref_slice %arg7[%mul3A_9] : memref<160000xi32, #tpu.memory_space<hbm>> -> memref<5056xi32, #tpu.memory_space<hbm>>
        tpu.wait_dma2 semaphore(%run_scoped3A : memref<!tpu.dma_semaphore, #tpu.memory_space<semaphore_mem>>) src(%dma_wait3A_157 : memref<5056xi32, #tpu.memory_space<hbm>>) dst(%dma_wait3A_156 : memref<5056xi32, #tpu.memory_space<vmem>>)
        tpu.yield
      }) : () -> ()
      "tpu.region"() ({
        %run_scoped3A = tpu.sem_alloc : memref<!tpu.dma_semaphore, #tpu.memory_space<semaphore_mem>>
        %dma_start3A = arith.constant 0 : i32
        %dma_start3A_148 = tpu.memref_slice %arg21[%dma_start3A] : memref<5056xi32, #tpu.memory_space<vmem>> -> memref<5056xi32, #tpu.memory_space<vmem>>
        %dma_start3A_149 = tpu.memref_slice %arg8[%mul3A_9] : memref<160000xi32, #tpu.memory_space<hbm>> -> memref<5056xi32, #tpu.memory_space<hbm>>
        %dma_start3A_150 = arith.constant 0 : i32
        %dma_start3A_151 = tpu.memref_slice %arg21[%dma_start3A_150] : memref<5056xi32, #tpu.memory_space<vmem>> -> memref<5056xi32, #tpu.memory_space<vmem>>
        %dma_start3A_152 = tpu.memref_slice %arg8[%mul3A_9] : memref<160000xi32, #tpu.memory_space<hbm>> -> memref<5056xi32, #tpu.memory_space<hbm>>
        tpu.enqueue_dma source(%dma_start3A_152 : memref<5056xi32, #tpu.memory_space<hbm>>) target(%dma_start3A_151 : memref<5056xi32, #tpu.memory_space<vmem>>) target_semaphore(%run_scoped3A : memref<!tpu.dma_semaphore, #tpu.memory_space<semaphore_mem>>)
        %dma_wait3A = arith.constant 0 : i32
        %dma_wait3A_153 = tpu.memref_slice %arg21[%dma_wait3A] : memref<5056xi32, #tpu.memory_space<vmem>> -> memref<5056xi32, #tpu.memory_space<vmem>>
        %dma_wait3A_154 = tpu.memref_slice %arg8[%mul3A_9] : memref<160000xi32, #tpu.memory_space<hbm>> -> memref<5056xi32, #tpu.memory_space<hbm>>
        %dma_wait3A_155 = arith.constant 0 : i32
        %dma_wait3A_156 = tpu.memref_slice %arg21[%dma_wait3A_155] : memref<5056xi32, #tpu.memory_space<vmem>> -> memref<5056xi32, #tpu.memory_space<vmem>>
        %dma_wait3A_157 = tpu.memref_slice %arg8[%mul3A_9] : memref<160000xi32, #tpu.memory_space<hbm>> -> memref<5056xi32, #tpu.memory_space<hbm>>
        tpu.wait_dma2 semaphore(%run_scoped3A : memref<!tpu.dma_semaphore, #tpu.memory_space<semaphore_mem>>) src(%dma_wait3A_157 : memref<5056xi32, #tpu.memory_space<hbm>>) dst(%dma_wait3A_156 : memref<5056xi32, #tpu.memory_space<vmem>>)
        tpu.yield
      }) : () -> ()
      "tpu.region"() ({
        %run_scoped3A = tpu.sem_alloc : memref<!tpu.dma_semaphore, #tpu.memory_space<semaphore_mem>>
        %dma_start3A = arith.constant 0 : i32
        %dma_start3A_148 = tpu.memref_slice %arg22[%dma_start3A] : memref<5056xi32, #tpu.memory_space<vmem>> -> memref<5056xi32, #tpu.memory_space<vmem>>
        %dma_start3A_149 = tpu.memref_slice %arg9[%mul3A_9] : memref<160000xi32, #tpu.memory_space<hbm>> -> memref<5056xi32, #tpu.memory_space<hbm>>
        %dma_start3A_150 = arith.constant 0 : i32
        %dma_start3A_151 = tpu.memref_slice %arg22[%dma_start3A_150] : memref<5056xi32, #tpu.memory_space<vmem>> -> memref<5056xi32, #tpu.memory_space<vmem>>
        %dma_start3A_152 = tpu.memref_slice %arg9[%mul3A_9] : memref<160000xi32, #tpu.memory_space<hbm>> -> memref<5056xi32, #tpu.memory_space<hbm>>
        tpu.enqueue_dma source(%dma_start3A_152 : memref<5056xi32, #tpu.memory_space<hbm>>) target(%dma_start3A_151 : memref<5056xi32, #tpu.memory_space<vmem>>) target_semaphore(%run_scoped3A : memref<!tpu.dma_semaphore, #tpu.memory_space<semaphore_mem>>)
        %dma_wait3A = arith.constant 0 : i32
        %dma_wait3A_153 = tpu.memref_slice %arg22[%dma_wait3A] : memref<5056xi32, #tpu.memory_space<vmem>> -> memref<5056xi32, #tpu.memory_space<vmem>>
        %dma_wait3A_154 = tpu.memref_slice %arg9[%mul3A_9] : memref<160000xi32, #tpu.memory_space<hbm>> -> memref<5056xi32, #tpu.memory_space<hbm>>
        %dma_wait3A_155 = arith.constant 0 : i32
        %dma_wait3A_156 = tpu.memref_slice %arg22[%dma_wait3A_155] : memref<5056xi32, #tpu.memory_space<vmem>> -> memref<5056xi32, #tpu.memory_space<vmem>>
        %dma_wait3A_157 = tpu.memref_slice %arg9[%mul3A_9] : memref<160000xi32, #tpu.memory_space<hbm>> -> memref<5056xi32, #tpu.memory_space<hbm>>
        tpu.wait_dma2 semaphore(%run_scoped3A : memref<!tpu.dma_semaphore, #tpu.memory_space<semaphore_mem>>) src(%dma_wait3A_157 : memref<5056xi32, #tpu.memory_space<hbm>>) dst(%dma_wait3A_156 : memref<5056xi32, #tpu.memory_space<vmem>>)
        tpu.yield
      }) : () -> ()
    } else {
    }
    %not3A = arith.constant true
    %not3A_11 = arith.xori %lt3A_1, %not3A : i1
    %convert_element_type3A_12 = arith.extui %not3A_11 : i1 to i32
    %cond3A_13 = arith.constant 0 : i32
    %cond3A_14 = arith.cmpi ne, %convert_element_type3A_12, %cond3A_13 : i32
    scf.if %cond3A_14 {
      "tpu.region"() ({
        %run_scoped3A = tpu.sem_alloc : memref<!tpu.dma_semaphore, #tpu.memory_space<semaphore_mem>>
        %dma_start3A = arith.constant 0 : i32
        %dma_start3A_148 = tpu.memref_slice %arg20[%dma_start3A] : memref<5056xi32, #tpu.memory_space<vmem>> -> memref<4992xi32, #tpu.memory_space<vmem>>
        %dma_start3A_149 = tpu.memref_slice %arg7[%mul3A_9] : memref<160000xi32, #tpu.memory_space<hbm>> -> memref<4992xi32, #tpu.memory_space<hbm>>
        %dma_start3A_150 = arith.constant 0 : i32
        %dma_start3A_151 = tpu.memref_slice %arg20[%dma_start3A_150] : memref<5056xi32, #tpu.memory_space<vmem>> -> memref<4992xi32, #tpu.memory_space<vmem>>
        %dma_start3A_152 = tpu.memref_slice %arg7[%mul3A_9] : memref<160000xi32, #tpu.memory_space<hbm>> -> memref<4992xi32, #tpu.memory_space<hbm>>
        tpu.enqueue_dma source(%dma_start3A_152 : memref<4992xi32, #tpu.memory_space<hbm>>) target(%dma_start3A_151 : memref<4992xi32, #tpu.memory_space<vmem>>) target_semaphore(%run_scoped3A : memref<!tpu.dma_semaphore, #tpu.memory_space<semaphore_mem>>)
        %dma_wait3A = arith.constant 0 : i32
        %dma_wait3A_153 = tpu.memref_slice %arg20[%dma_wait3A] : memref<5056xi32, #tpu.memory_space<vmem>> -> memref<4992xi32, #tpu.memory_space<vmem>>
        %dma_wait3A_154 = tpu.memref_slice %arg7[%mul3A_9] : memref<160000xi32, #tpu.memory_space<hbm>> -> memref<4992xi32, #tpu.memory_space<hbm>>
        %dma_wait3A_155 = arith.constant 0 : i32
        %dma_wait3A_156 = tpu.memref_slice %arg20[%dma_wait3A_155] : memref<5056xi32, #tpu.memory_space<vmem>> -> memref<4992xi32, #tpu.memory_space<vmem>>
        %dma_wait3A_157 = tpu.memref_slice %arg7[%mul3A_9] : memref<160000xi32, #tpu.memory_space<hbm>> -> memref<4992xi32, #tpu.memory_space<hbm>>
        tpu.wait_dma2 semaphore(%run_scoped3A : memref<!tpu.dma_semaphore, #tpu.memory_space<semaphore_mem>>) src(%dma_wait3A_157 : memref<4992xi32, #tpu.memory_space<hbm>>) dst(%dma_wait3A_156 : memref<4992xi32, #tpu.memory_space<vmem>>)
        tpu.yield
      }) : () -> ()
      "tpu.region"() ({
        %run_scoped3A = tpu.sem_alloc : memref<!tpu.dma_semaphore, #tpu.memory_space<semaphore_mem>>
        %dma_start3A = arith.constant 0 : i32
        %dma_start3A_148 = tpu.memref_slice %arg21[%dma_start3A] : memref<5056xi32, #tpu.memory_space<vmem>> -> memref<4992xi32, #tpu.memory_space<vmem>>
        %dma_start3A_149 = tpu.memref_slice %arg8[%mul3A_9] : memref<160000xi32, #tpu.memory_space<hbm>> -> memref<4992xi32, #tpu.memory_space<hbm>>
        %dma_start3A_150 = arith.constant 0 : i32
        %dma_start3A_151 = tpu.memref_slice %arg21[%dma_start3A_150] : memref<5056xi32, #tpu.memory_space<vmem>> -> memref<4992xi32, #tpu.memory_space<vmem>>
        %dma_start3A_152 = tpu.memref_slice %arg8[%mul3A_9] : memref<160000xi32, #tpu.memory_space<hbm>> -> memref<4992xi32, #tpu.memory_space<hbm>>
        tpu.enqueue_dma source(%dma_start3A_152 : memref<4992xi32, #tpu.memory_space<hbm>>) target(%dma_start3A_151 : memref<4992xi32, #tpu.memory_space<vmem>>) target_semaphore(%run_scoped3A : memref<!tpu.dma_semaphore, #tpu.memory_space<semaphore_mem>>)
        %dma_wait3A = arith.constant 0 : i32
        %dma_wait3A_153 = tpu.memref_slice %arg21[%dma_wait3A] : memref<5056xi32, #tpu.memory_space<vmem>> -> memref<4992xi32, #tpu.memory_space<vmem>>
        %dma_wait3A_154 = tpu.memref_slice %arg8[%mul3A_9] : memref<160000xi32, #tpu.memory_space<hbm>> -> memref<4992xi32, #tpu.memory_space<hbm>>
        %dma_wait3A_155 = arith.constant 0 : i32
        %dma_wait3A_156 = tpu.memref_slice %arg21[%dma_wait3A_155] : memref<5056xi32, #tpu.memory_space<vmem>> -> memref<4992xi32, #tpu.memory_space<vmem>>
        %dma_wait3A_157 = tpu.memref_slice %arg8[%mul3A_9] : memref<160000xi32, #tpu.memory_space<hbm>> -> memref<4992xi32, #tpu.memory_space<hbm>>
        tpu.wait_dma2 semaphore(%run_scoped3A : memref<!tpu.dma_semaphore, #tpu.memory_space<semaphore_mem>>) src(%dma_wait3A_157 : memref<4992xi32, #tpu.memory_space<hbm>>) dst(%dma_wait3A_156 : memref<4992xi32, #tpu.memory_space<vmem>>)
        tpu.yield
      }) : () -> ()
      "tpu.region"() ({
        %run_scoped3A = tpu.sem_alloc : memref<!tpu.dma_semaphore, #tpu.memory_space<semaphore_mem>>
        %dma_start3A = arith.constant 0 : i32
        %dma_start3A_148 = tpu.memref_slice %arg22[%dma_start3A] : memref<5056xi32, #tpu.memory_space<vmem>> -> memref<4992xi32, #tpu.memory_space<vmem>>
        %dma_start3A_149 = tpu.memref_slice %arg9[%mul3A_9] : memref<160000xi32, #tpu.memory_space<hbm>> -> memref<4992xi32, #tpu.memory_space<hbm>>
        %dma_start3A_150 = arith.constant 0 : i32
        %dma_start3A_151 = tpu.memref_slice %arg22[%dma_start3A_150] : memref<5056xi32, #tpu.memory_space<vmem>> -> memref<4992xi32, #tpu.memory_space<vmem>>
        %dma_start3A_152 = tpu.memref_slice %arg9[%mul3A_9] : memref<160000xi32, #tpu.memory_space<hbm>> -> memref<4992xi32, #tpu.memory_space<hbm>>
        tpu.enqueue_dma source(%dma_start3A_152 : memref<4992xi32, #tpu.memory_space<hbm>>) target(%dma_start3A_151 : memref<4992xi32, #tpu.memory_space<vmem>>) target_semaphore(%run_scoped3A : memref<!tpu.dma_semaphore, #tpu.memory_space<semaphore_mem>>)
        %dma_wait3A = arith.constant 0 : i32
        %dma_wait3A_153 = tpu.memref_slice %arg22[%dma_wait3A] : memref<5056xi32, #tpu.memory_space<vmem>> -> memref<4992xi32, #tpu.memory_space<vmem>>
        %dma_wait3A_154 = tpu.memref_slice %arg9[%mul3A_9] : memref<160000xi32, #tpu.memory_space<hbm>> -> memref<4992xi32, #tpu.memory_space<hbm>>
        %dma_wait3A_155 = arith.constant 0 : i32
        %dma_wait3A_156 = tpu.memref_slice %arg22[%dma_wait3A_155] : memref<5056xi32, #tpu.memory_space<vmem>> -> memref<4992xi32, #tpu.memory_space<vmem>>
        %dma_wait3A_157 = tpu.memref_slice %arg9[%mul3A_9] : memref<160000xi32, #tpu.memory_space<hbm>> -> memref<4992xi32, #tpu.memory_space<hbm>>
        tpu.wait_dma2 semaphore(%run_scoped3A : memref<!tpu.dma_semaphore, #tpu.memory_space<semaphore_mem>>) src(%dma_wait3A_157 : memref<4992xi32, #tpu.memory_space<hbm>>) dst(%dma_wait3A_156 : memref<4992xi32, #tpu.memory_space<vmem>>)
        tpu.yield
      }) : () -> ()
    } else {
    }
    %broadcast_in_dim3A = arith.constant 0.000000e+00 : f32
    %broadcast_in_dim3A_15 = vector.broadcast %broadcast_in_dim3A : f32 to vector<16xf32>
    %swap3A = arith.constant 0 : index
    %swap3A_16 = tpu.vector_load %arg19[%swap3A] {strides = array<i32>} : memref<128xf32, #tpu.memory_space<vmem>>, vector<16xf32>,
    tpu.vector_store %arg19[%swap3A], %broadcast_in_dim3A_15 {strides = array<i32>} : memref<128xf32, #tpu.memory_space<vmem>>, vector<16xf32>,
    %swap3A_17 = arith.constant 16 : index
    %swap3A_18 = tpu.vector_load %arg19[%swap3A_17] {strides = array<i32>} : memref<128xf32, #tpu.memory_space<vmem>>, vector<16xf32>,
    tpu.vector_store %arg19[%swap3A_17], %broadcast_in_dim3A_15 {strides = array<i32>} : memref<128xf32, #tpu.memory_space<vmem>>, vector<16xf32>,
    %swap3A_19 = arith.constant 32 : index
    %swap3A_20 = tpu.vector_load %arg19[%swap3A_19] {strides = array<i32>} : memref<128xf32, #tpu.memory_space<vmem>>, vector<16xf32>,
    tpu.vector_store %arg19[%swap3A_19], %broadcast_in_dim3A_15 {strides = array<i32>} : memref<128xf32, #tpu.memory_space<vmem>>, vector<16xf32>,
    %swap3A_21 = arith.constant 48 : index
    %swap3A_22 = tpu.vector_load %arg19[%swap3A_21] {strides = array<i32>} : memref<128xf32, #tpu.memory_space<vmem>>, vector<16xf32>,
    tpu.vector_store %arg19[%swap3A_21], %broadcast_in_dim3A_15 {strides = array<i32>} : memref<128xf32, #tpu.memory_space<vmem>>, vector<16xf32>,
    %swap3A_23 = arith.constant 64 : index
    %swap3A_24 = tpu.vector_load %arg19[%swap3A_23] {strides = array<i32>} : memref<128xf32, #tpu.memory_space<vmem>>, vector<16xf32>,
    tpu.vector_store %arg19[%swap3A_23], %broadcast_in_dim3A_15 {strides = array<i32>} : memref<128xf32, #tpu.memory_space<vmem>>, vector<16xf32>,
    %swap3A_25 = arith.constant 80 : index
    %swap3A_26 = tpu.vector_load %arg19[%swap3A_25] {strides = array<i32>} : memref<128xf32, #tpu.memory_space<vmem>>, vector<16xf32>,
    tpu.vector_store %arg19[%swap3A_25], %broadcast_in_dim3A_15 {strides = array<i32>} : memref<128xf32, #tpu.memory_space<vmem>>, vector<16xf32>,
    %swap3A_27 = arith.constant 96 : index
    %swap3A_28 = tpu.vector_load %arg19[%swap3A_27] {strides = array<i32>} : memref<128xf32, #tpu.memory_space<vmem>>, vector<16xf32>,
    tpu.vector_store %arg19[%swap3A_27], %broadcast_in_dim3A_15 {strides = array<i32>} : memref<128xf32, #tpu.memory_space<vmem>>, vector<16xf32>,
    %swap3A_29 = arith.constant 112 : index
    %swap3A_30 = tpu.vector_load %arg19[%swap3A_29] {strides = array<i32>} : memref<128xf32, #tpu.memory_space<vmem>>, vector<16xf32>,
    tpu.vector_store %arg19[%swap3A_29], %broadcast_in_dim3A_15 {strides = array<i32>} : memref<128xf32, #tpu.memory_space<vmem>>, vector<16xf32>,
    %iota3A = tpu.iota {dimensions = array<i32: 0>} : vector<16xi32>
    %mul3A_31 = arith.constant 16 : i32
    %mul3A_32 = vector.broadcast %mul3A_31 : i32 to vector<16xi32>
    %mul3A_33 = arith.muli %iota3A, %mul3A_32 : vector<16xi32>
    %get3A = arith.constant 0 : index
    %get3A_34 = tpu.vector_load %arg18[%get3A] {strides = array<i32>} : memref<128xf32, #tpu.memory_space<vmem>>, vector<16xf32>,
    %slice3A = vector.extract_strided_slice %get3A_34 {offsets = [0], sizes = [1], strides = [1]} : vector<16xf32> to vector<1xf32>
    %squeeze3A = vector.extract %slice3A[0] : f32 from vector<1xf32>
    %slice3A_35 = vector.extract_strided_slice %get3A_34 {offsets = [1], sizes = [1], strides = [1]} : vector<16xf32> to vector<1xf32>
    %squeeze3A_36 = vector.extract %slice3A_35[0] : f32 from vector<1xf32>
    %slice3A_37 = vector.extract_strided_slice %get3A_34 {offsets = [2], sizes = [1], strides = [1]} : vector<16xf32> to vector<1xf32>
    %squeeze3A_38 = vector.extract %slice3A_37[0] : f32 from vector<1xf32>
    %slice3A_39 = vector.extract_strided_slice %get3A_34 {offsets = [3], sizes = [1], strides = [1]} : vector<16xf32> to vector<1xf32>
    %squeeze3A_40 = vector.extract %slice3A_39[0] : f32 from vector<1xf32>
    %slice3A_41 = vector.extract_strided_slice %get3A_34 {offsets = [4], sizes = [1], strides = [1]} : vector<16xf32> to vector<1xf32>
    %squeeze3A_42 = vector.extract %slice3A_41[0] : f32 from vector<1xf32>
    %slice3A_43 = vector.extract_strided_slice %get3A_34 {offsets = [5], sizes = [1], strides = [1]} : vector<16xf32> to vector<1xf32>
    %squeeze3A_44 = vector.extract %slice3A_43[0] : f32 from vector<1xf32>
    %slice3A_45 = vector.extract_strided_slice %get3A_34 {offsets = [6], sizes = [1], strides = [1]} : vector<16xf32> to vector<1xf32>
    %squeeze3A_46 = vector.extract %slice3A_45[0] : f32 from vector<1xf32>
    %slice3A_47 = vector.extract_strided_slice %get3A_34 {offsets = [7], sizes = [1], strides = [1]} : vector<16xf32> to vector<1xf32>
    %squeeze3A_48 = vector.extract %slice3A_47[0] : f32 from vector<1xf32>
    %slice3A_49 = vector.extract_strided_slice %get3A_34 {offsets = [8], sizes = [1], strides = [1]} : vector<16xf32> to vector<1xf32>
    %squeeze3A_50 = vector.extract %slice3A_49[0] : f32 from vector<1xf32>
    %slice3A_51 = vector.extract_strided_slice %get3A_34 {offsets = [9], sizes = [1], strides = [1]} : vector<16xf32> to vector<1xf32>
    %squeeze3A_52 = vector.extract %slice3A_51[0] : f32 from vector<1xf32>
    %slice3A_53 = vector.extract_strided_slice %get3A_34 {offsets = [10], sizes = [1], strides = [1]} : vector<16xf32> to vector<1xf32>
    %squeeze3A_54 = vector.extract %slice3A_53[0] : f32 from vector<1xf32>
    %slice3A_55 = vector.extract_strided_slice %get3A_34 {offsets = [11], sizes = [1], strides = [1]} : vector<16xf32> to vector<1xf32>
    %squeeze3A_56 = vector.extract %slice3A_55[0] : f32 from vector<1xf32>
    %slice3A_57 = vector.extract_strided_slice %get3A_34 {offsets = [12], sizes = [1], strides = [1]} : vector<16xf32> to vector<1xf32>
    %squeeze3A_58 = vector.extract %slice3A_57[0] : f32 from vector<1xf32>
    %slice3A_59 = vector.extract_strided_slice %get3A_34 {offsets = [13], sizes = [1], strides = [1]} : vector<16xf32> to vector<1xf32>
    %squeeze3A_60 = vector.extract %slice3A_59[0] : f32 from vector<1xf32>
    %slice3A_61 = vector.extract_strided_slice %get3A_34 {offsets = [14], sizes = [1], strides = [1]} : vector<16xf32> to vector<1xf32>
    %squeeze3A_62 = vector.extract %slice3A_61[0] : f32 from vector<1xf32>
    %slice3A_63 = vector.extract_strided_slice %get3A_34 {offsets = [15], sizes = [1], strides = [1]} : vector<16xf32> to vector<1xf32>
    %squeeze3A_64 = vector.extract %slice3A_63[0] : f32 from vector<1xf32>
    %mul3A_65 = arith.constant 16 : i32
    %mul3A_66 = arith.muli %mul3A_9, %mul3A_65 : i32
    %jit3A = arith.constant 128 : i32
    %div3A = arith.divsi %mul3A_66, %jit3A : i32
    %sign3A = arith.constant 0 : i32
    %sign3A_67 = arith.cmpi sgt, %mul3A_66, %sign3A : i32
    %sign3A_68 = arith.extui %sign3A_67 : i1 to i32
    %sign3A_69 = arith.constant 0 : i32
    %sign3A_70 = arith.cmpi slt, %mul3A_66, %sign3A_69 : i32
    %sign3A_71 = arith.extui %sign3A_70 : i1 to i32
    %sign3A_72 = arith.subi %sign3A_68, %sign3A_71 : i32
    %sign3A_73 = arith.constant 0 : i32
    %sign3A_74 = arith.cmpi sgt, %jit3A, %sign3A_73 : i32
    %sign3A_75 = arith.extui %sign3A_74 : i1 to i32
    %sign3A_76 = arith.constant 0 : i32
    %sign3A_77 = arith.cmpi slt, %jit3A, %sign3A_76 : i32
    %sign3A_78 = arith.extui %sign3A_77 : i1 to i32
    %sign3A_79 = arith.subi %sign3A_75, %sign3A_78 : i32
    %ne3A = arith.cmpi ne, %sign3A_72, %sign3A_79 : i32
    %rem3A = arith.remsi %mul3A_66, %jit3A : i32
    %ne3A_80 = arith.constant 0 : i32
    %ne3A_81 = arith.cmpi ne, %rem3A, %ne3A_80 : i32
    %and3A = arith.andi %ne3A, %ne3A_81 : i1
    %sub3A = arith.constant 1 : i32
    %sub3A_82 = arith.subi %div3A, %sub3A : i32
    %select_n3A_83 = arith.select %and3A, %sub3A_82, %div3A : i32
    %multiple_of3A = tpu.assume_multiple %select_n3A_83, 8 : i32
    %add3A_84 = arith.constant 2496 : i32
    %add3A_85 = arith.addi %mul3A_9, %add3A_84 : i32
    %mul3A_86 = arith.constant 16 : i32
    %mul3A_87 = arith.muli %add3A_85, %mul3A_86 : i32
    %jit3A_88 = arith.constant 128 : i32
    %div3A_89 = arith.divsi %mul3A_87, %jit3A_88 : i32
    %sign3A_90 = arith.constant 0 : i32
    %sign3A_91 = arith.cmpi sgt, %mul3A_87, %sign3A_90 : i32
    %sign3A_92 = arith.extui %sign3A_91 : i1 to i32
    %sign3A_93 = arith.constant 0 : i32
    %sign3A_94 = arith.cmpi slt, %mul3A_87, %sign3A_93 : i32
    %sign3A_95 = arith.extui %sign3A_94 : i1 to i32
    %sign3A_96 = arith.subi %sign3A_92, %sign3A_95 : i32
    %sign3A_97 = arith.constant 0 : i32
    %sign3A_98 = arith.cmpi sgt, %jit3A_88, %sign3A_97 : i32
    %sign3A_99 = arith.extui %sign3A_98 : i1 to i32
    %sign3A_100 = arith.constant 0 : i32
    %sign3A_101 = arith.cmpi slt, %jit3A_88, %sign3A_100 : i32
    %sign3A_102 = arith.extui %sign3A_101 : i1 to i32
    %sign3A_103 = arith.subi %sign3A_99, %sign3A_102 : i32
    %ne3A_104 = arith.cmpi ne, %sign3A_96, %sign3A_103 : i32
    %rem3A_105 = arith.remsi %mul3A_87, %jit3A_88 : i32
    %ne3A_106 = arith.constant 0 : i32
    %ne3A_107 = arith.cmpi ne, %rem3A_105, %ne3A_106 : i32
    %and3A_108 = arith.andi %ne3A_104, %ne3A_107 : i1
    %sub3A_109 = arith.constant 1 : i32
    %sub3A_110 = arith.subi %div3A_89, %sub3A_109 : i32
    %select_n3A_111 = arith.select %and3A_108, %sub3A_110, %div3A_89 : i32
    %multiple_of3A_112 = tpu.assume_multiple %select_n3A_111, 8 : i32
    "tpu.region"() ({
      %run_scoped3A = tpu.sem_alloc : memref<!tpu.dma_semaphore, #tpu.memory_space<semaphore_mem>>
      %dma_start3A = arith.constant 0 : i32
      %dma_start3A_148 = arith.constant 0 : i32
      %dma_start3A_149 = tpu.memref_slice %arg24[%dma_start3A, %dma_start3A_148] : memref<320x128xf32, #tpu.memory_space<vmem>> -> memref<312x128xf32, #tpu.memory_space<vmem>>
      %dma_start3A_150 = arith.constant 0 : i32
      %dma_start3A_151 = tpu.memref_slice %arg6[%multiple_of3A, %dma_start3A_150] : memref<20000x128xf32, #tpu.memory_space<hbm>> -> memref<312x128xf32, #tpu.memory_space<hbm>>
      %dma_start3A_152 = arith.constant 0 : i32
      %dma_start3A_153 = arith.constant 0 : i32
      %dma_start3A_154 = tpu.memref_slice %arg24[%dma_start3A_152, %dma_start3A_153] : memref<320x128xf32, #tpu.memory_space<vmem>> -> memref<312x128xf32, #tpu.memory_space<vmem>>
      %dma_start3A_155 = arith.constant 0 : i32
      %dma_start3A_156 = tpu.memref_slice %arg6[%multiple_of3A, %dma_start3A_155] : memref<20000x128xf32, #tpu.memory_space<hbm>> -> memref<312x128xf32, #tpu.memory_space<hbm>>
      tpu.enqueue_dma source(%dma_start3A_156 : memref<312x128xf32, #tpu.memory_space<hbm>>) target(%dma_start3A_154 : memref<312x128xf32, #tpu.memory_space<vmem>>) target_semaphore(%run_scoped3A : memref<!tpu.dma_semaphore, #tpu.memory_space<semaphore_mem>>)
      %dma_wait3A = arith.constant 0 : i32
      %dma_wait3A_157 = arith.constant 0 : i32
      %dma_wait3A_158 = tpu.memref_slice %arg24[%dma_wait3A, %dma_wait3A_157] : memref<320x128xf32, #tpu.memory_space<vmem>> -> memref<312x128xf32, #tpu.memory_space<vmem>>
      %dma_wait3A_159 = arith.constant 0 : i32
      %dma_wait3A_160 = tpu.memref_slice %arg6[%multiple_of3A, %dma_wait3A_159] : memref<20000x128xf32, #tpu.memory_space<hbm>> -> memref<312x128xf32, #tpu.memory_space<hbm>>
      %dma_wait3A_161 = arith.constant 0 : i32
      %dma_wait3A_162 = arith.constant 0 : i32
      %dma_wait3A_163 = tpu.memref_slice %arg24[%dma_wait3A_161, %dma_wait3A_162] : memref<320x128xf32, #tpu.memory_space<vmem>> -> memref<312x128xf32, #tpu.memory_space<vmem>>
      %dma_wait3A_164 = arith.constant 0 : i32
      %dma_wait3A_165 = tpu.memref_slice %arg6[%multiple_of3A, %dma_wait3A_164] : memref<20000x128xf32, #tpu.memory_space<hbm>> -> memref<312x128xf32, #tpu.memory_space<hbm>>
      tpu.wait_dma2 semaphore(%run_scoped3A : memref<!tpu.dma_semaphore, #tpu.memory_space<semaphore_mem>>) src(%dma_wait3A_165 : memref<312x128xf32, #tpu.memory_space<hbm>>) dst(%dma_wait3A_163 : memref<312x128xf32, #tpu.memory_space<vmem>>)
      tpu.yield
    }) : () -> ()
    %scan3A = arith.constant 0 : i32
    %scan3A_113 = arith.constant 0 : i32
    %scan3A_114 = arith.constant 156 : i32
    %scan3A_115 = arith.addi %scan3A_113, %scan3A_114 : i32
    %scan3A_116 = arith.constant 1 : i32
    scf.for %scan3A_148 = %scan3A_113 to %scan3A_115 step %scan3A_116  : i32 {
      %mul3A_149 = arith.constant 16 : i32
      %mul3A_150 = arith.muli %scan3A_148, %mul3A_149 : i32
      %add3A_151 = arith.constant 0 : i32
      %add3A_152 = arith.addi %add3A_151, %mul3A_150 : i32
      %get3A_153 = arith.index_cast %add3A_152 : i32 to index
      %get3A_154 = tpu.vector_load %arg20[%get3A_153] {strides = array<i32>} : memref<5056xi32, #tpu.memory_space<vmem>>, vector<16xi32>,
      %get3A_155 = arith.index_cast %add3A_152 : i32 to index
      %get3A_156 = tpu.vector_load %arg21[%get3A_155] {strides = array<i32>} : memref<5056xi32, #tpu.memory_space<vmem>>, vector<16xi32>,
      %get3A_157 = arith.index_cast %add3A_152 : i32 to index
      %get3A_158 = tpu.vector_load %arg22[%get3A_157] {strides = array<i32>} : memref<5056xi32, #tpu.memory_space<vmem>>, vector<16xi32>,
      %mul3A_159 = arith.constant 16 : i32
      %mul3A_160 = arith.muli %mul3A_150, %mul3A_159 : i32
      %add3A_161 = vector.broadcast %mul3A_160 : i32 to vector<16xi32>
      %add3A_162 = arith.addi %mul3A_33, %add3A_161 : vector<16xi32>
      %shift_right_arithmetic3A = arith.constant 7 : i32
      %shift_right_arithmetic3A_163 = vector.broadcast %shift_right_arithmetic3A : i32 to vector<16xi32>
      %shift_right_arithmetic3A_164 = arith.shrsi %add3A_162, %shift_right_arithmetic3A_163 : vector<16xi32>
      %and3A_165 = arith.constant 127 : i32
      %and3A_166 = vector.broadcast %and3A_165 : i32 to vector<16xi32>
      %and3A_167 = arith.andi %add3A_162, %and3A_166 : vector<16xi32>
      %gather3A = tpu.vector_load_idx %arg14[%get3A_154] : memref<10240xf32, #tpu.memory_space<vmem>>[vector<16xi32>], vector<16xf32>,
      %gather3A_168 = tpu.vector_load_idx %arg15[%get3A_156] : memref<10240xf32, #tpu.memory_space<vmem>>[vector<16xi32>], vector<16xf32>,
      %add3A_169 = arith.addf %gather3A, %gather3A_168 : vector<16xf32>
      %gather3A_170 = tpu.vector_load_idx %arg17[%get3A_158] : memref<128xf32, #tpu.memory_space<vmem>>[vector<16xi32>], vector<16xf32>,
      %add3A_171 = arith.addf %add3A_169, %gather3A_170 : vector<16xf32>
      %add3A_172 = arith.constant 0 : i32
      %add3A_173 = vector.broadcast %add3A_172 : i32 to vector<16xi32>
      %add3A_174 = arith.addi %and3A_167, %add3A_173 : vector<16xi32>
      %gather3A_175 = tpu.vector_load_idx %arg24[%shift_right_arithmetic3A_164, %add3A_174] : memref<320x128xf32, #tpu.memory_space<vmem>>[vector<16xi32>, vector<16xi32>], vector<16xf32>,
      %mul3A_176 = vector.broadcast %squeeze3A : f32 to vector<16xf32>
      %mul3A_177 = arith.mulf %mul3A_176, %gather3A_175 : vector<16xf32>
      %add3A_178 = arith.addf %add3A_171, %mul3A_177 : vector<16xf32>
      %add3A_179 = arith.constant 1 : i32
      %add3A_180 = vector.broadcast %add3A_179 : i32 to vector<16xi32>
      %add3A_181 = arith.addi %and3A_167, %add3A_180 : vector<16xi32>
      %gather3A_182 = tpu.vector_load_idx %arg24[%shift_right_arithmetic3A_164, %add3A_181] : memref<320x128xf32, #tpu.memory_space<vmem>>[vector<16xi32>, vector<16xi32>], vector<16xf32>,
      %mul3A_183 = vector.broadcast %squeeze3A_36 : f32 to vector<16xf32>
      %mul3A_184 = arith.mulf %mul3A_183, %gather3A_182 : vector<16xf32>
      %add3A_185 = arith.addf %add3A_178, %mul3A_184 : vector<16xf32>
      %add3A_186 = arith.constant 2 : i32
      %add3A_187 = vector.broadcast %add3A_186 : i32 to vector<16xi32>
      %add3A_188 = arith.addi %and3A_167, %add3A_187 : vector<16xi32>
      %gather3A_189 = tpu.vector_load_idx %arg24[%shift_right_arithmetic3A_164, %add3A_188] : memref<320x128xf32, #tpu.memory_space<vmem>>[vector<16xi32>, vector<16xi32>], vector<16xf32>,
      %mul3A_190 = vector.broadcast %squeeze3A_38 : f32 to vector<16xf32>
      %mul3A_191 = arith.mulf %mul3A_190, %gather3A_189 : vector<16xf32>
      %add3A_192 = arith.addf %add3A_185, %mul3A_191 : vector<16xf32>
      %add3A_193 = arith.constant 3 : i32
      %add3A_194 = vector.broadcast %add3A_193 : i32 to vector<16xi32>
      %add3A_195 = arith.addi %and3A_167, %add3A_194 : vector<16xi32>
      %gather3A_196 = tpu.vector_load_idx %arg24[%shift_right_arithmetic3A_164, %add3A_195] : memref<320x128xf32, #tpu.memory_space<vmem>>[vector<16xi32>, vector<16xi32>], vector<16xf32>,
      %mul3A_197 = vector.broadcast %squeeze3A_40 : f32 to vector<16xf32>
      %mul3A_198 = arith.mulf %mul3A_197, %gather3A_196 : vector<16xf32>
      %add3A_199 = arith.addf %add3A_192, %mul3A_198 : vector<16xf32>
      %add3A_200 = arith.constant 4 : i32
      %add3A_201 = vector.broadcast %add3A_200 : i32 to vector<16xi32>
      %add3A_202 = arith.addi %and3A_167, %add3A_201 : vector<16xi32>
      %gather3A_203 = tpu.vector_load_idx %arg24[%shift_right_arithmetic3A_164, %add3A_202] : memref<320x128xf32, #tpu.memory_space<vmem>>[vector<16xi32>, vector<16xi32>], vector<16xf32>,
      %mul3A_204 = vector.broadcast %squeeze3A_42 : f32 to vector<16xf32>
      %mul3A_205 = arith.mulf %mul3A_204, %gather3A_203 : vector<16xf32>
      %add3A_206 = arith.addf %add3A_199, %mul3A_205 : vector<16xf32>
      %add3A_207 = arith.constant 5 : i32
      %add3A_208 = vector.broadcast %add3A_207 : i32 to vector<16xi32>
      %add3A_209 = arith.addi %and3A_167, %add3A_208 : vector<16xi32>
      %gather3A_210 = tpu.vector_load_idx %arg24[%shift_right_arithmetic3A_164, %add3A_209] : memref<320x128xf32, #tpu.memory_space<vmem>>[vector<16xi32>, vector<16xi32>], vector<16xf32>,
      %mul3A_211 = vector.broadcast %squeeze3A_44 : f32 to vector<16xf32>
      %mul3A_212 = arith.mulf %mul3A_211, %gather3A_210 : vector<16xf32>
      %add3A_213 = arith.addf %add3A_206, %mul3A_212 : vector<16xf32>
      %add3A_214 = arith.constant 6 : i32
      %add3A_215 = vector.broadcast %add3A_214 : i32 to vector<16xi32>
      %add3A_216 = arith.addi %and3A_167, %add3A_215 : vector<16xi32>
      %gather3A_217 = tpu.vector_load_idx %arg24[%shift_right_arithmetic3A_164, %add3A_216] : memref<320x128xf32, #tpu.memory_space<vmem>>[vector<16xi32>, vector<16xi32>], vector<16xf32>,
      %mul3A_218 = vector.broadcast %squeeze3A_46 : f32 to vector<16xf32>
      %mul3A_219 = arith.mulf %mul3A_218, %gather3A_217 : vector<16xf32>
      %add3A_220 = arith.addf %add3A_213, %mul3A_219 : vector<16xf32>
      %add3A_221 = arith.constant 7 : i32
      %add3A_222 = vector.broadcast %add3A_221 : i32 to vector<16xi32>
      %add3A_223 = arith.addi %and3A_167, %add3A_222 : vector<16xi32>
      %gather3A_224 = tpu.vector_load_idx %arg24[%shift_right_arithmetic3A_164, %add3A_223] : memref<320x128xf32, #tpu.memory_space<vmem>>[vector<16xi32>, vector<16xi32>], vector<16xf32>,
      %mul3A_225 = vector.broadcast %squeeze3A_48 : f32 to vector<16xf32>
      %mul3A_226 = arith.mulf %mul3A_225, %gather3A_224 : vector<16xf32>
      %add3A_227 = arith.addf %add3A_220, %mul3A_226 : vector<16xf32>
      %add3A_228 = arith.constant 8 : i32
      %add3A_229 = vector.broadcast %add3A_228 : i32 to vector<16xi32>
      %add3A_230 = arith.addi %and3A_167, %add3A_229 : vector<16xi32>
      %gather3A_231 = tpu.vector_load_idx %arg24[%shift_right_arithmetic3A_164, %add3A_230] : memref<320x128xf32, #tpu.memory_space<vmem>>[vector<16xi32>, vector<16xi32>], vector<16xf32>,
      %mul3A_232 = vector.broadcast %squeeze3A_50 : f32 to vector<16xf32>
      %mul3A_233 = arith.mulf %mul3A_232, %gather3A_231 : vector<16xf32>
      %add3A_234 = arith.addf %add3A_227, %mul3A_233 : vector<16xf32>
      %add3A_235 = arith.constant 9 : i32
      %add3A_236 = vector.broadcast %add3A_235 : i32 to vector<16xi32>
      %add3A_237 = arith.addi %and3A_167, %add3A_236 : vector<16xi32>
      %gather3A_238 = tpu.vector_load_idx %arg24[%shift_right_arithmetic3A_164, %add3A_237] : memref<320x128xf32, #tpu.memory_space<vmem>>[vector<16xi32>, vector<16xi32>], vector<16xf32>,
      %mul3A_239 = vector.broadcast %squeeze3A_52 : f32 to vector<16xf32>
      %mul3A_240 = arith.mulf %mul3A_239, %gather3A_238 : vector<16xf32>
      %add3A_241 = arith.addf %add3A_234, %mul3A_240 : vector<16xf32>
      %add3A_242 = arith.constant 10 : i32
      %add3A_243 = vector.broadcast %add3A_242 : i32 to vector<16xi32>
      %add3A_244 = arith.addi %and3A_167, %add3A_243 : vector<16xi32>
      %gather3A_245 = tpu.vector_load_idx %arg24[%shift_right_arithmetic3A_164, %add3A_244] : memref<320x128xf32, #tpu.memory_space<vmem>>[vector<16xi32>, vector<16xi32>], vector<16xf32>,
      %mul3A_246 = vector.broadcast %squeeze3A_54 : f32 to vector<16xf32>
      %mul3A_247 = arith.mulf %mul3A_246, %gather3A_245 : vector<16xf32>
      %add3A_248 = arith.addf %add3A_241, %mul3A_247 : vector<16xf32>
      %add3A_249 = arith.constant 11 : i32
      %add3A_250 = vector.broadcast %add3A_249 : i32 to vector<16xi32>
      %add3A_251 = arith.addi %and3A_167, %add3A_250 : vector<16xi32>
      %gather3A_252 = tpu.vector_load_idx %arg24[%shift_right_arithmetic3A_164, %add3A_251] : memref<320x128xf32, #tpu.memory_space<vmem>>[vector<16xi32>, vector<16xi32>], vector<16xf32>,
      %mul3A_253 = vector.broadcast %squeeze3A_56 : f32 to vector<16xf32>
      %mul3A_254 = arith.mulf %mul3A_253, %gather3A_252 : vector<16xf32>
      %add3A_255 = arith.addf %add3A_248, %mul3A_254 : vector<16xf32>
      %add3A_256 = arith.constant 12 : i32
      %add3A_257 = vector.broadcast %add3A_256 : i32 to vector<16xi32>
      %add3A_258 = arith.addi %and3A_167, %add3A_257 : vector<16xi32>
      %gather3A_259 = tpu.vector_load_idx %arg24[%shift_right_arithmetic3A_164, %add3A_258] : memref<320x128xf32, #tpu.memory_space<vmem>>[vector<16xi32>, vector<16xi32>], vector<16xf32>,
      %mul3A_260 = vector.broadcast %squeeze3A_58 : f32 to vector<16xf32>
      %mul3A_261 = arith.mulf %mul3A_260, %gather3A_259 : vector<16xf32>
      %add3A_262 = arith.addf %add3A_255, %mul3A_261 : vector<16xf32>
      %add3A_263 = arith.constant 13 : i32
      %add3A_264 = vector.broadcast %add3A_263 : i32 to vector<16xi32>
      %add3A_265 = arith.addi %and3A_167, %add3A_264 : vector<16xi32>
      %gather3A_266 = tpu.vector_load_idx %arg24[%shift_right_arithmetic3A_164, %add3A_265] : memref<320x128xf32, #tpu.memory_space<vmem>>[vector<16xi32>, vector<16xi32>], vector<16xf32>,
      %mul3A_267 = vector.broadcast %squeeze3A_60 : f32 to vector<16xf32>
      %mul3A_268 = arith.mulf %mul3A_267, %gather3A_266 : vector<16xf32>
      %add3A_269 = arith.addf %add3A_262, %mul3A_268 : vector<16xf32>
      %add3A_270 = arith.constant 14 : i32
      %add3A_271 = vector.broadcast %add3A_270 : i32 to vector<16xi32>
      %add3A_272 = arith.addi %and3A_167, %add3A_271 : vector<16xi32>
      %gather3A_273 = tpu.vector_load_idx %arg24[%shift_right_arithmetic3A_164, %add3A_272] : memref<320x128xf32, #tpu.memory_space<vmem>>[vector<16xi32>, vector<16xi32>], vector<16xf32>,
      %mul3A_274 = vector.broadcast %squeeze3A_62 : f32 to vector<16xf32>
      %mul3A_275 = arith.mulf %mul3A_274, %gather3A_273 : vector<16xf32>
      %add3A_276 = arith.addf %add3A_269, %mul3A_275 : vector<16xf32>
      %add3A_277 = arith.constant 15 : i32
      %add3A_278 = vector.broadcast %add3A_277 : i32 to vector<16xi32>
      %add3A_279 = arith.addi %and3A_167, %add3A_278 : vector<16xi32>
      %gather3A_280 = tpu.vector_load_idx %arg24[%shift_right_arithmetic3A_164, %add3A_279] : memref<320x128xf32, #tpu.memory_space<vmem>>[vector<16xi32>, vector<16xi32>], vector<16xf32>,
      %mul3A_281 = vector.broadcast %squeeze3A_64 : f32 to vector<16xf32>
      %mul3A_282 = arith.mulf %mul3A_281, %gather3A_280 : vector<16xf32>
      %add3A_283 = arith.addf %add3A_276, %mul3A_282 : vector<16xf32>
      %swap3A_284 = arith.index_cast %add3A_152 : i32 to index
      %swap3A_285 = tpu.vector_load %arg23[%swap3A_284] {strides = array<i32>} : memref<5056xf32, #tpu.memory_space<vmem>>, vector<16xf32>,
      tpu.vector_store %arg23[%swap3A_284], %add3A_283 {strides = array<i32>} : memref<5056xf32, #tpu.memory_space<vmem>>, vector<16xf32>,
      %shift_right_arithmetic3A_286 = arith.constant 7 : i32
      %shift_right_arithmetic3A_287 = vector.broadcast %shift_right_arithmetic3A_286 : i32 to vector<16xi32>
      %shift_right_arithmetic3A_288 = arith.shrsi %get3A_156, %shift_right_arithmetic3A_287 : vector<16xi32>
      %and3A_289 = arith.constant 127 : i32
      %and3A_290 = vector.broadcast %and3A_289 : i32 to vector<16xi32>
      %and3A_291 = arith.andi %get3A_156, %and3A_290 : vector<16xi32>
      tpu.vector_store_idx %arg16[%shift_right_arithmetic3A_288, %and3A_291], %add3A_283 {add = true} : memref<80x128xf32, #tpu.memory_space<vmem>>[vector<16xi32>, vector<16xi32>], vector<16xf32>,
      tpu.vector_store_idx %arg19[%get3A_158], %add3A_283 {add = true} : memref<128xf32, #tpu.memory_space<vmem>>[vector<16xi32>], vector<16xf32>,
    }
    %scan3A_117 = arith.constant 156 : i32
    %convert_element_type3A_118 = arith.extui %lt3A_1 : i1 to i32
    %cond3A_119 = arith.constant 0 : i32
    %cond3A_120 = arith.cmpi ne, %convert_element_type3A_118, %cond3A_119 : i32
    scf.if %cond3A_120 {
      "tpu.region"() ({
        %run_scoped3A = tpu.sem_alloc : memref<!tpu.dma_semaphore, #tpu.memory_space<semaphore_mem>>
        %dma_start3A = arith.constant 0 : i32
        %dma_start3A_148 = arith.constant 0 : i32
        %dma_start3A_149 = tpu.memref_slice %arg24[%dma_start3A, %dma_start3A_148] : memref<320x128xf32, #tpu.memory_space<vmem>> -> memref<320x128xf32, #tpu.memory_space<vmem>>
        %dma_start3A_150 = arith.constant 0 : i32
        %dma_start3A_151 = tpu.memref_slice %arg6[%multiple_of3A_112, %dma_start3A_150] : memref<20000x128xf32, #tpu.memory_space<hbm>> -> memref<320x128xf32, #tpu.memory_space<hbm>>
        %dma_start3A_152 = arith.constant 0 : i32
        %dma_start3A_153 = arith.constant 0 : i32
        %dma_start3A_154 = tpu.memref_slice %arg24[%dma_start3A_152, %dma_start3A_153] : memref<320x128xf32, #tpu.memory_space<vmem>> -> memref<320x128xf32, #tpu.memory_space<vmem>>
        %dma_start3A_155 = arith.constant 0 : i32
        %dma_start3A_156 = tpu.memref_slice %arg6[%multiple_of3A_112, %dma_start3A_155] : memref<20000x128xf32, #tpu.memory_space<hbm>> -> memref<320x128xf32, #tpu.memory_space<hbm>>
        tpu.enqueue_dma source(%dma_start3A_156 : memref<320x128xf32, #tpu.memory_space<hbm>>) target(%dma_start3A_154 : memref<320x128xf32, #tpu.memory_space<vmem>>) target_semaphore(%run_scoped3A : memref<!tpu.dma_semaphore, #tpu.memory_space<semaphore_mem>>)
        %dma_wait3A = arith.constant 0 : i32
        %dma_wait3A_157 = arith.constant 0 : i32
        %dma_wait3A_158 = tpu.memref_slice %arg24[%dma_wait3A, %dma_wait3A_157] : memref<320x128xf32, #tpu.memory_space<vmem>> -> memref<320x128xf32, #tpu.memory_space<vmem>>
        %dma_wait3A_159 = arith.constant 0 : i32
        %dma_wait3A_160 = tpu.memref_slice %arg6[%multiple_of3A_112, %dma_wait3A_159] : memref<20000x128xf32, #tpu.memory_space<hbm>> -> memref<320x128xf32, #tpu.memory_space<hbm>>
        %dma_wait3A_161 = arith.constant 0 : i32
        %dma_wait3A_162 = arith.constant 0 : i32
        %dma_wait3A_163 = tpu.memref_slice %arg24[%dma_wait3A_161, %dma_wait3A_162] : memref<320x128xf32, #tpu.memory_space<vmem>> -> memref<320x128xf32, #tpu.memory_space<vmem>>
        %dma_wait3A_164 = arith.constant 0 : i32
        %dma_wait3A_165 = tpu.memref_slice %arg6[%multiple_of3A_112, %dma_wait3A_164] : memref<20000x128xf32, #tpu.memory_space<hbm>> -> memref<320x128xf32, #tpu.memory_space<hbm>>
        tpu.wait_dma2 semaphore(%run_scoped3A : memref<!tpu.dma_semaphore, #tpu.memory_space<semaphore_mem>>) src(%dma_wait3A_165 : memref<320x128xf32, #tpu.memory_space<hbm>>) dst(%dma_wait3A_163 : memref<320x128xf32, #tpu.memory_space<vmem>>)
        tpu.yield
      }) : () -> ()
    } else {
    }
    %not3A_121 = arith.constant true
    %not3A_122 = arith.xori %lt3A_1, %not3A_121 : i1
    %convert_element_type3A_123 = arith.extui %not3A_122 : i1 to i32
    %cond3A_124 = arith.constant 0 : i32
    %cond3A_125 = arith.cmpi ne, %convert_element_type3A_123, %cond3A_124 : i32
    scf.if %cond3A_125 {
      "tpu.region"() ({
        %run_scoped3A = tpu.sem_alloc : memref<!tpu.dma_semaphore, #tpu.memory_space<semaphore_mem>>
        %dma_start3A = arith.constant 0 : i32
        %dma_start3A_148 = arith.constant 0 : i32
        %dma_start3A_149 = tpu.memref_slice %arg24[%dma_start3A, %dma_start3A_148] : memref<320x128xf32, #tpu.memory_space<vmem>> -> memref<312x128xf32, #tpu.memory_space<vmem>>
        %dma_start3A_150 = arith.constant 0 : i32
        %dma_start3A_151 = tpu.memref_slice %arg6[%multiple_of3A_112, %dma_start3A_150] : memref<20000x128xf32, #tpu.memory_space<hbm>> -> memref<312x128xf32, #tpu.memory_space<hbm>>
        %dma_start3A_152 = arith.constant 0 : i32
        %dma_start3A_153 = arith.constant 0 : i32
        %dma_start3A_154 = tpu.memref_slice %arg24[%dma_start3A_152, %dma_start3A_153] : memref<320x128xf32, #tpu.memory_space<vmem>> -> memref<312x128xf32, #tpu.memory_space<vmem>>
        %dma_start3A_155 = arith.constant 0 : i32
        %dma_start3A_156 = tpu.memref_slice %arg6[%multiple_of3A_112, %dma_start3A_155] : memref<20000x128xf32, #tpu.memory_space<hbm>> -> memref<312x128xf32, #tpu.memory_space<hbm>>
        tpu.enqueue_dma source(%dma_start3A_156 : memref<312x128xf32, #tpu.memory_space<hbm>>) target(%dma_start3A_154 : memref<312x128xf32, #tpu.memory_space<vmem>>) target_semaphore(%run_scoped3A : memref<!tpu.dma_semaphore, #tpu.memory_space<semaphore_mem>>)
        %dma_wait3A = arith.constant 0 : i32
        %dma_wait3A_157 = arith.constant 0 : i32
        %dma_wait3A_158 = tpu.memref_slice %arg24[%dma_wait3A, %dma_wait3A_157] : memref<320x128xf32, #tpu.memory_space<vmem>> -> memref<312x128xf32, #tpu.memory_space<vmem>>
        %dma_wait3A_159 = arith.constant 0 : i32
        %dma_wait3A_160 = tpu.memref_slice %arg6[%multiple_of3A_112, %dma_wait3A_159] : memref<20000x128xf32, #tpu.memory_space<hbm>> -> memref<312x128xf32, #tpu.memory_space<hbm>>
        %dma_wait3A_161 = arith.constant 0 : i32
        %dma_wait3A_162 = arith.constant 0 : i32
        %dma_wait3A_163 = tpu.memref_slice %arg24[%dma_wait3A_161, %dma_wait3A_162] : memref<320x128xf32, #tpu.memory_space<vmem>> -> memref<312x128xf32, #tpu.memory_space<vmem>>
        %dma_wait3A_164 = arith.constant 0 : i32
        %dma_wait3A_165 = tpu.memref_slice %arg6[%multiple_of3A_112, %dma_wait3A_164] : memref<20000x128xf32, #tpu.memory_space<hbm>> -> memref<312x128xf32, #tpu.memory_space<hbm>>
        tpu.wait_dma2 semaphore(%run_scoped3A : memref<!tpu.dma_semaphore, #tpu.memory_space<semaphore_mem>>) src(%dma_wait3A_165 : memref<312x128xf32, #tpu.memory_space<hbm>>) dst(%dma_wait3A_163 : memref<312x128xf32, #tpu.memory_space<vmem>>)
        tpu.yield
      }) : () -> ()
    } else {
    }
    %jit3A_126 = arith.constant 160 : i32
    %jit3A_127 = arith.constant 156 : i32
    %select_n3A_128 = arith.select %lt3A_1, %jit3A_126, %jit3A_127 : i32
    %while3A = arith.constant 0 : i32
    %while3A_129 = arith.constant 0 : i32
    %while3A_130 = arith.subi %select_n3A_128, %while3A_129 : i32
    %while3A_131 = arith.addi %while3A_129, %while3A_130 : i32
    %while3A_132 = arith.constant 1 : i32
    %while3A_133 = arith.divsi %while3A_130, %while3A_132 : i32
    %while3A_134 = arith.muli %while3A_133, %while3A_132 : i32
    %while3A_135 = arith.addi %while3A_129, %while3A_134 : i32
    %while3A_136 = arith.constant 1 : i32
    scf.for %while3A_148 = %while3A_129 to %while3A_135 step %while3A_136  : i32 {
      %mul3A_149 = arith.constant 16 : i32
      %mul3A_150 = arith.muli %while3A_148, %mul3A_149 : i32
      %add3A_151 = arith.constant 2496 : i32
      %add3A_152 = arith.addi %add3A_151, %mul3A_150 : i32
      %get3A_153 = arith.index_cast %add3A_152 : i32 to index
      %get3A_154 = tpu.vector_load %arg20[%get3A_153] {strides = array<i32>} : memref<5056xi32, #tpu.memory_space<vmem>>, vector<16xi32>,
      %get3A_155 = arith.index_cast %add3A_152 : i32 to index
      %get3A_156 = tpu.vector_load %arg21[%get3A_155] {strides = array<i32>} : memref<5056xi32, #tpu.memory_space<vmem>>, vector<16xi32>,
      %get3A_157 = arith.index_cast %add3A_152 : i32 to index
      %get3A_158 = tpu.vector_load %arg22[%get3A_157] {strides = array<i32>} : memref<5056xi32, #tpu.memory_space<vmem>>, vector<16xi32>,
      %mul3A_159 = arith.constant 16 : i32
      %mul3A_160 = arith.muli %mul3A_150, %mul3A_159 : i32
      %add3A_161 = vector.broadcast %mul3A_160 : i32 to vector<16xi32>
      %add3A_162 = arith.addi %mul3A_33, %add3A_161 : vector<16xi32>
      %shift_right_arithmetic3A = arith.constant 7 : i32
      %shift_right_arithmetic3A_163 = vector.broadcast %shift_right_arithmetic3A : i32 to vector<16xi32>
      %shift_right_arithmetic3A_164 = arith.shrsi %add3A_162, %shift_right_arithmetic3A_163 : vector<16xi32>
      %and3A_165 = arith.constant 127 : i32
      %and3A_166 = vector.broadcast %and3A_165 : i32 to vector<16xi32>
      %and3A_167 = arith.andi %add3A_162, %and3A_166 : vector<16xi32>
      %gather3A = tpu.vector_load_idx %arg14[%get3A_154] : memref<10240xf32, #tpu.memory_space<vmem>>[vector<16xi32>], vector<16xf32>,
      %gather3A_168 = tpu.vector_load_idx %arg15[%get3A_156] : memref<10240xf32, #tpu.memory_space<vmem>>[vector<16xi32>], vector<16xf32>,
      %add3A_169 = arith.addf %gather3A, %gather3A_168 : vector<16xf32>
      %gather3A_170 = tpu.vector_load_idx %arg17[%get3A_158] : memref<128xf32, #tpu.memory_space<vmem>>[vector<16xi32>], vector<16xf32>,
      %add3A_171 = arith.addf %add3A_169, %gather3A_170 : vector<16xf32>
      %add3A_172 = arith.constant 0 : i32
      %add3A_173 = vector.broadcast %add3A_172 : i32 to vector<16xi32>
      %add3A_174 = arith.addi %and3A_167, %add3A_173 : vector<16xi32>
      %gather3A_175 = tpu.vector_load_idx %arg24[%shift_right_arithmetic3A_164, %add3A_174] : memref<320x128xf32, #tpu.memory_space<vmem>>[vector<16xi32>, vector<16xi32>], vector<16xf32>,
      %mul3A_176 = vector.broadcast %squeeze3A : f32 to vector<16xf32>
      %mul3A_177 = arith.mulf %mul3A_176, %gather3A_175 : vector<16xf32>
      %add3A_178 = arith.addf %add3A_171, %mul3A_177 : vector<16xf32>
      %add3A_179 = arith.constant 1 : i32
      %add3A_180 = vector.broadcast %add3A_179 : i32 to vector<16xi32>
      %add3A_181 = arith.addi %and3A_167, %add3A_180 : vector<16xi32>
      %gather3A_182 = tpu.vector_load_idx %arg24[%shift_right_arithmetic3A_164, %add3A_181] : memref<320x128xf32, #tpu.memory_space<vmem>>[vector<16xi32>, vector<16xi32>], vector<16xf32>,
      %mul3A_183 = vector.broadcast %squeeze3A_36 : f32 to vector<16xf32>
      %mul3A_184 = arith.mulf %mul3A_183, %gather3A_182 : vector<16xf32>
      %add3A_185 = arith.addf %add3A_178, %mul3A_184 : vector<16xf32>
      %add3A_186 = arith.constant 2 : i32
      %add3A_187 = vector.broadcast %add3A_186 : i32 to vector<16xi32>
      %add3A_188 = arith.addi %and3A_167, %add3A_187 : vector<16xi32>
      %gather3A_189 = tpu.vector_load_idx %arg24[%shift_right_arithmetic3A_164, %add3A_188] : memref<320x128xf32, #tpu.memory_space<vmem>>[vector<16xi32>, vector<16xi32>], vector<16xf32>,
      %mul3A_190 = vector.broadcast %squeeze3A_38 : f32 to vector<16xf32>
      %mul3A_191 = arith.mulf %mul3A_190, %gather3A_189 : vector<16xf32>
      %add3A_192 = arith.addf %add3A_185, %mul3A_191 : vector<16xf32>
      %add3A_193 = arith.constant 3 : i32
      %add3A_194 = vector.broadcast %add3A_193 : i32 to vector<16xi32>
      %add3A_195 = arith.addi %and3A_167, %add3A_194 : vector<16xi32>
      %gather3A_196 = tpu.vector_load_idx %arg24[%shift_right_arithmetic3A_164, %add3A_195] : memref<320x128xf32, #tpu.memory_space<vmem>>[vector<16xi32>, vector<16xi32>], vector<16xf32>,
      %mul3A_197 = vector.broadcast %squeeze3A_40 : f32 to vector<16xf32>
      %mul3A_198 = arith.mulf %mul3A_197, %gather3A_196 : vector<16xf32>
      %add3A_199 = arith.addf %add3A_192, %mul3A_198 : vector<16xf32>
      %add3A_200 = arith.constant 4 : i32
      %add3A_201 = vector.broadcast %add3A_200 : i32 to vector<16xi32>
      %add3A_202 = arith.addi %and3A_167, %add3A_201 : vector<16xi32>
      %gather3A_203 = tpu.vector_load_idx %arg24[%shift_right_arithmetic3A_164, %add3A_202] : memref<320x128xf32, #tpu.memory_space<vmem>>[vector<16xi32>, vector<16xi32>], vector<16xf32>,
      %mul3A_204 = vector.broadcast %squeeze3A_42 : f32 to vector<16xf32>
      %mul3A_205 = arith.mulf %mul3A_204, %gather3A_203 : vector<16xf32>
      %add3A_206 = arith.addf %add3A_199, %mul3A_205 : vector<16xf32>
      %add3A_207 = arith.constant 5 : i32
      %add3A_208 = vector.broadcast %add3A_207 : i32 to vector<16xi32>
      %add3A_209 = arith.addi %and3A_167, %add3A_208 : vector<16xi32>
      %gather3A_210 = tpu.vector_load_idx %arg24[%shift_right_arithmetic3A_164, %add3A_209] : memref<320x128xf32, #tpu.memory_space<vmem>>[vector<16xi32>, vector<16xi32>], vector<16xf32>,
      %mul3A_211 = vector.broadcast %squeeze3A_44 : f32 to vector<16xf32>
      %mul3A_212 = arith.mulf %mul3A_211, %gather3A_210 : vector<16xf32>
      %add3A_213 = arith.addf %add3A_206, %mul3A_212 : vector<16xf32>
      %add3A_214 = arith.constant 6 : i32
      %add3A_215 = vector.broadcast %add3A_214 : i32 to vector<16xi32>
      %add3A_216 = arith.addi %and3A_167, %add3A_215 : vector<16xi32>
      %gather3A_217 = tpu.vector_load_idx %arg24[%shift_right_arithmetic3A_164, %add3A_216] : memref<320x128xf32, #tpu.memory_space<vmem>>[vector<16xi32>, vector<16xi32>], vector<16xf32>,
      %mul3A_218 = vector.broadcast %squeeze3A_46 : f32 to vector<16xf32>
      %mul3A_219 = arith.mulf %mul3A_218, %gather3A_217 : vector<16xf32>
      %add3A_220 = arith.addf %add3A_213, %mul3A_219 : vector<16xf32>
      %add3A_221 = arith.constant 7 : i32
      %add3A_222 = vector.broadcast %add3A_221 : i32 to vector<16xi32>
      %add3A_223 = arith.addi %and3A_167, %add3A_222 : vector<16xi32>
      %gather3A_224 = tpu.vector_load_idx %arg24[%shift_right_arithmetic3A_164, %add3A_223] : memref<320x128xf32, #tpu.memory_space<vmem>>[vector<16xi32>, vector<16xi32>], vector<16xf32>,
      %mul3A_225 = vector.broadcast %squeeze3A_48 : f32 to vector<16xf32>
      %mul3A_226 = arith.mulf %mul3A_225, %gather3A_224 : vector<16xf32>
      %add3A_227 = arith.addf %add3A_220, %mul3A_226 : vector<16xf32>
      %add3A_228 = arith.constant 8 : i32
      %add3A_229 = vector.broadcast %add3A_228 : i32 to vector<16xi32>
      %add3A_230 = arith.addi %and3A_167, %add3A_229 : vector<16xi32>
      %gather3A_231 = tpu.vector_load_idx %arg24[%shift_right_arithmetic3A_164, %add3A_230] : memref<320x128xf32, #tpu.memory_space<vmem>>[vector<16xi32>, vector<16xi32>], vector<16xf32>,
      %mul3A_232 = vector.broadcast %squeeze3A_50 : f32 to vector<16xf32>
      %mul3A_233 = arith.mulf %mul3A_232, %gather3A_231 : vector<16xf32>
      %add3A_234 = arith.addf %add3A_227, %mul3A_233 : vector<16xf32>
      %add3A_235 = arith.constant 9 : i32
      %add3A_236 = vector.broadcast %add3A_235 : i32 to vector<16xi32>
      %add3A_237 = arith.addi %and3A_167, %add3A_236 : vector<16xi32>
      %gather3A_238 = tpu.vector_load_idx %arg24[%shift_right_arithmetic3A_164, %add3A_237] : memref<320x128xf32, #tpu.memory_space<vmem>>[vector<16xi32>, vector<16xi32>], vector<16xf32>,
      %mul3A_239 = vector.broadcast %squeeze3A_52 : f32 to vector<16xf32>
      %mul3A_240 = arith.mulf %mul3A_239, %gather3A_238 : vector<16xf32>
      %add3A_241 = arith.addf %add3A_234, %mul3A_240 : vector<16xf32>
      %add3A_242 = arith.constant 10 : i32
      %add3A_243 = vector.broadcast %add3A_242 : i32 to vector<16xi32>
      %add3A_244 = arith.addi %and3A_167, %add3A_243 : vector<16xi32>
      %gather3A_245 = tpu.vector_load_idx %arg24[%shift_right_arithmetic3A_164, %add3A_244] : memref<320x128xf32, #tpu.memory_space<vmem>>[vector<16xi32>, vector<16xi32>], vector<16xf32>,
      %mul3A_246 = vector.broadcast %squeeze3A_54 : f32 to vector<16xf32>
      %mul3A_247 = arith.mulf %mul3A_246, %gather3A_245 : vector<16xf32>
      %add3A_248 = arith.addf %add3A_241, %mul3A_247 : vector<16xf32>
      %add3A_249 = arith.constant 11 : i32
      %add3A_250 = vector.broadcast %add3A_249 : i32 to vector<16xi32>
      %add3A_251 = arith.addi %and3A_167, %add3A_250 : vector<16xi32>
      %gather3A_252 = tpu.vector_load_idx %arg24[%shift_right_arithmetic3A_164, %add3A_251] : memref<320x128xf32, #tpu.memory_space<vmem>>[vector<16xi32>, vector<16xi32>], vector<16xf32>,
      %mul3A_253 = vector.broadcast %squeeze3A_56 : f32 to vector<16xf32>
      %mul3A_254 = arith.mulf %mul3A_253, %gather3A_252 : vector<16xf32>
      %add3A_255 = arith.addf %add3A_248, %mul3A_254 : vector<16xf32>
      %add3A_256 = arith.constant 12 : i32
      %add3A_257 = vector.broadcast %add3A_256 : i32 to vector<16xi32>
      %add3A_258 = arith.addi %and3A_167, %add3A_257 : vector<16xi32>
      %gather3A_259 = tpu.vector_load_idx %arg24[%shift_right_arithmetic3A_164, %add3A_258] : memref<320x128xf32, #tpu.memory_space<vmem>>[vector<16xi32>, vector<16xi32>], vector<16xf32>,
      %mul3A_260 = vector.broadcast %squeeze3A_58 : f32 to vector<16xf32>
      %mul3A_261 = arith.mulf %mul3A_260, %gather3A_259 : vector<16xf32>
      %add3A_262 = arith.addf %add3A_255, %mul3A_261 : vector<16xf32>
      %add3A_263 = arith.constant 13 : i32
      %add3A_264 = vector.broadcast %add3A_263 : i32 to vector<16xi32>
      %add3A_265 = arith.addi %and3A_167, %add3A_264 : vector<16xi32>
      %gather3A_266 = tpu.vector_load_idx %arg24[%shift_right_arithmetic3A_164, %add3A_265] : memref<320x128xf32, #tpu.memory_space<vmem>>[vector<16xi32>, vector<16xi32>], vector<16xf32>,
      %mul3A_267 = vector.broadcast %squeeze3A_60 : f32 to vector<16xf32>
      %mul3A_268 = arith.mulf %mul3A_267, %gather3A_266 : vector<16xf32>
      %add3A_269 = arith.addf %add3A_262, %mul3A_268 : vector<16xf32>
      %add3A_270 = arith.constant 14 : i32
      %add3A_271 = vector.broadcast %add3A_270 : i32 to vector<16xi32>
      %add3A_272 = arith.addi %and3A_167, %add3A_271 : vector<16xi32>
      %gather3A_273 = tpu.vector_load_idx %arg24[%shift_right_arithmetic3A_164, %add3A_272] : memref<320x128xf32, #tpu.memory_space<vmem>>[vector<16xi32>, vector<16xi32>], vector<16xf32>,
      %mul3A_274 = vector.broadcast %squeeze3A_62 : f32 to vector<16xf32>
      %mul3A_275 = arith.mulf %mul3A_274, %gather3A_273 : vector<16xf32>
      %add3A_276 = arith.addf %add3A_269, %mul3A_275 : vector<16xf32>
      %add3A_277 = arith.constant 15 : i32
      %add3A_278 = vector.broadcast %add3A_277 : i32 to vector<16xi32>
      %add3A_279 = arith.addi %and3A_167, %add3A_278 : vector<16xi32>
      %gather3A_280 = tpu.vector_load_idx %arg24[%shift_right_arithmetic3A_164, %add3A_279] : memref<320x128xf32, #tpu.memory_space<vmem>>[vector<16xi32>, vector<16xi32>], vector<16xf32>,
      %mul3A_281 = vector.broadcast %squeeze3A_64 : f32 to vector<16xf32>
      %mul3A_282 = arith.mulf %mul3A_281, %gather3A_280 : vector<16xf32>
      %add3A_283 = arith.addf %add3A_276, %mul3A_282 : vector<16xf32>
      %swap3A_284 = arith.index_cast %add3A_152 : i32 to index
      %swap3A_285 = tpu.vector_load %arg23[%swap3A_284] {strides = array<i32>} : memref<5056xf32, #tpu.memory_space<vmem>>, vector<16xf32>,
      tpu.vector_store %arg23[%swap3A_284], %add3A_283 {strides = array<i32>} : memref<5056xf32, #tpu.memory_space<vmem>>, vector<16xf32>,
      %shift_right_arithmetic3A_286 = arith.constant 7 : i32
      %shift_right_arithmetic3A_287 = vector.broadcast %shift_right_arithmetic3A_286 : i32 to vector<16xi32>
      %shift_right_arithmetic3A_288 = arith.shrsi %get3A_156, %shift_right_arithmetic3A_287 : vector<16xi32>
      %and3A_289 = arith.constant 127 : i32
      %and3A_290 = vector.broadcast %and3A_289 : i32 to vector<16xi32>
      %and3A_291 = arith.andi %get3A_156, %and3A_290 : vector<16xi32>
      tpu.vector_store_idx %arg16[%shift_right_arithmetic3A_288, %and3A_291], %add3A_283 {add = true} : memref<80x128xf32, #tpu.memory_space<vmem>>[vector<16xi32>, vector<16xi32>], vector<16xf32>,
      tpu.vector_store_idx %arg19[%get3A_158], %add3A_283 {add = true} : memref<128xf32, #tpu.memory_space<vmem>>[vector<16xi32>], vector<16xf32>,
    }
    %while3A_137 = arith.constant 1 : i32
    scf.for %while3A_148 = %while3A_135 to %while3A_131 step %while3A_137  : i32 {
      %mul3A_149 = arith.constant 16 : i32
      %mul3A_150 = arith.muli %while3A_148, %mul3A_149 : i32
      %add3A_151 = arith.constant 2496 : i32
      %add3A_152 = arith.addi %add3A_151, %mul3A_150 : i32
      %get3A_153 = arith.index_cast %add3A_152 : i32 to index
      %get3A_154 = tpu.vector_load %arg20[%get3A_153] {strides = array<i32>} : memref<5056xi32, #tpu.memory_space<vmem>>, vector<16xi32>,
      %get3A_155 = arith.index_cast %add3A_152 : i32 to index
      %get3A_156 = tpu.vector_load %arg21[%get3A_155] {strides = array<i32>} : memref<5056xi32, #tpu.memory_space<vmem>>, vector<16xi32>,
      %get3A_157 = arith.index_cast %add3A_152 : i32 to index
      %get3A_158 = tpu.vector_load %arg22[%get3A_157] {strides = array<i32>} : memref<5056xi32, #tpu.memory_space<vmem>>, vector<16xi32>,
      %mul3A_159 = arith.constant 16 : i32
      %mul3A_160 = arith.muli %mul3A_150, %mul3A_159 : i32
      %add3A_161 = vector.broadcast %mul3A_160 : i32 to vector<16xi32>
      %add3A_162 = arith.addi %mul3A_33, %add3A_161 : vector<16xi32>
      %shift_right_arithmetic3A = arith.constant 7 : i32
      %shift_right_arithmetic3A_163 = vector.broadcast %shift_right_arithmetic3A : i32 to vector<16xi32>
      %shift_right_arithmetic3A_164 = arith.shrsi %add3A_162, %shift_right_arithmetic3A_163 : vector<16xi32>
      %and3A_165 = arith.constant 127 : i32
      %and3A_166 = vector.broadcast %and3A_165 : i32 to vector<16xi32>
      %and3A_167 = arith.andi %add3A_162, %and3A_166 : vector<16xi32>
      %gather3A = tpu.vector_load_idx %arg14[%get3A_154] : memref<10240xf32, #tpu.memory_space<vmem>>[vector<16xi32>], vector<16xf32>,
      %gather3A_168 = tpu.vector_load_idx %arg15[%get3A_156] : memref<10240xf32, #tpu.memory_space<vmem>>[vector<16xi32>], vector<16xf32>,
      %add3A_169 = arith.addf %gather3A, %gather3A_168 : vector<16xf32>
      %gather3A_170 = tpu.vector_load_idx %arg17[%get3A_158] : memref<128xf32, #tpu.memory_space<vmem>>[vector<16xi32>], vector<16xf32>,
      %add3A_171 = arith.addf %add3A_169, %gather3A_170 : vector<16xf32>
      %add3A_172 = arith.constant 0 : i32
      %add3A_173 = vector.broadcast %add3A_172 : i32 to vector<16xi32>
      %add3A_174 = arith.addi %and3A_167, %add3A_173 : vector<16xi32>
      %gather3A_175 = tpu.vector_load_idx %arg24[%shift_right_arithmetic3A_164, %add3A_174] : memref<320x128xf32, #tpu.memory_space<vmem>>[vector<16xi32>, vector<16xi32>], vector<16xf32>,
      %mul3A_176 = vector.broadcast %squeeze3A : f32 to vector<16xf32>
      %mul3A_177 = arith.mulf %mul3A_176, %gather3A_175 : vector<16xf32>
      %add3A_178 = arith.addf %add3A_171, %mul3A_177 : vector<16xf32>
      %add3A_179 = arith.constant 1 : i32
      %add3A_180 = vector.broadcast %add3A_179 : i32 to vector<16xi32>
      %add3A_181 = arith.addi %and3A_167, %add3A_180 : vector<16xi32>
      %gather3A_182 = tpu.vector_load_idx %arg24[%shift_right_arithmetic3A_164, %add3A_181] : memref<320x128xf32, #tpu.memory_space<vmem>>[vector<16xi32>, vector<16xi32>], vector<16xf32>,
      %mul3A_183 = vector.broadcast %squeeze3A_36 : f32 to vector<16xf32>
      %mul3A_184 = arith.mulf %mul3A_183, %gather3A_182 : vector<16xf32>
      %add3A_185 = arith.addf %add3A_178, %mul3A_184 : vector<16xf32>
      %add3A_186 = arith.constant 2 : i32
      %add3A_187 = vector.broadcast %add3A_186 : i32 to vector<16xi32>
      %add3A_188 = arith.addi %and3A_167, %add3A_187 : vector<16xi32>
      %gather3A_189 = tpu.vector_load_idx %arg24[%shift_right_arithmetic3A_164, %add3A_188] : memref<320x128xf32, #tpu.memory_space<vmem>>[vector<16xi32>, vector<16xi32>], vector<16xf32>,
      %mul3A_190 = vector.broadcast %squeeze3A_38 : f32 to vector<16xf32>
      %mul3A_191 = arith.mulf %mul3A_190, %gather3A_189 : vector<16xf32>
      %add3A_192 = arith.addf %add3A_185, %mul3A_191 : vector<16xf32>
      %add3A_193 = arith.constant 3 : i32
      %add3A_194 = vector.broadcast %add3A_193 : i32 to vector<16xi32>
      %add3A_195 = arith.addi %and3A_167, %add3A_194 : vector<16xi32>
      %gather3A_196 = tpu.vector_load_idx %arg24[%shift_right_arithmetic3A_164, %add3A_195] : memref<320x128xf32, #tpu.memory_space<vmem>>[vector<16xi32>, vector<16xi32>], vector<16xf32>,
      %mul3A_197 = vector.broadcast %squeeze3A_40 : f32 to vector<16xf32>
      %mul3A_198 = arith.mulf %mul3A_197, %gather3A_196 : vector<16xf32>
      %add3A_199 = arith.addf %add3A_192, %mul3A_198 : vector<16xf32>
      %add3A_200 = arith.constant 4 : i32
      %add3A_201 = vector.broadcast %add3A_200 : i32 to vector<16xi32>
      %add3A_202 = arith.addi %and3A_167, %add3A_201 : vector<16xi32>
      %gather3A_203 = tpu.vector_load_idx %arg24[%shift_right_arithmetic3A_164, %add3A_202] : memref<320x128xf32, #tpu.memory_space<vmem>>[vector<16xi32>, vector<16xi32>], vector<16xf32>,
      %mul3A_204 = vector.broadcast %squeeze3A_42 : f32 to vector<16xf32>
      %mul3A_205 = arith.mulf %mul3A_204, %gather3A_203 : vector<16xf32>
      %add3A_206 = arith.addf %add3A_199, %mul3A_205 : vector<16xf32>
      %add3A_207 = arith.constant 5 : i32
      %add3A_208 = vector.broadcast %add3A_207 : i32 to vector<16xi32>
      %add3A_209 = arith.addi %and3A_167, %add3A_208 : vector<16xi32>
      %gather3A_210 = tpu.vector_load_idx %arg24[%shift_right_arithmetic3A_164, %add3A_209] : memref<320x128xf32, #tpu.memory_space<vmem>>[vector<16xi32>, vector<16xi32>], vector<16xf32>,
      %mul3A_211 = vector.broadcast %squeeze3A_44 : f32 to vector<16xf32>
      %mul3A_212 = arith.mulf %mul3A_211, %gather3A_210 : vector<16xf32>
      %add3A_213 = arith.addf %add3A_206, %mul3A_212 : vector<16xf32>
      %add3A_214 = arith.constant 6 : i32
      %add3A_215 = vector.broadcast %add3A_214 : i32 to vector<16xi32>
      %add3A_216 = arith.addi %and3A_167, %add3A_215 : vector<16xi32>
      %gather3A_217 = tpu.vector_load_idx %arg24[%shift_right_arithmetic3A_164, %add3A_216] : memref<320x128xf32, #tpu.memory_space<vmem>>[vector<16xi32>, vector<16xi32>], vector<16xf32>,
      %mul3A_218 = vector.broadcast %squeeze3A_46 : f32 to vector<16xf32>
      %mul3A_219 = arith.mulf %mul3A_218, %gather3A_217 : vector<16xf32>
      %add3A_220 = arith.addf %add3A_213, %mul3A_219 : vector<16xf32>
      %add3A_221 = arith.constant 7 : i32
      %add3A_222 = vector.broadcast %add3A_221 : i32 to vector<16xi32>
      %add3A_223 = arith.addi %and3A_167, %add3A_222 : vector<16xi32>
      %gather3A_224 = tpu.vector_load_idx %arg24[%shift_right_arithmetic3A_164, %add3A_223] : memref<320x128xf32, #tpu.memory_space<vmem>>[vector<16xi32>, vector<16xi32>], vector<16xf32>,
      %mul3A_225 = vector.broadcast %squeeze3A_48 : f32 to vector<16xf32>
      %mul3A_226 = arith.mulf %mul3A_225, %gather3A_224 : vector<16xf32>
      %add3A_227 = arith.addf %add3A_220, %mul3A_226 : vector<16xf32>
      %add3A_228 = arith.constant 8 : i32
      %add3A_229 = vector.broadcast %add3A_228 : i32 to vector<16xi32>
      %add3A_230 = arith.addi %and3A_167, %add3A_229 : vector<16xi32>
      %gather3A_231 = tpu.vector_load_idx %arg24[%shift_right_arithmetic3A_164, %add3A_230] : memref<320x128xf32, #tpu.memory_space<vmem>>[vector<16xi32>, vector<16xi32>], vector<16xf32>,
      %mul3A_232 = vector.broadcast %squeeze3A_50 : f32 to vector<16xf32>
      %mul3A_233 = arith.mulf %mul3A_232, %gather3A_231 : vector<16xf32>
      %add3A_234 = arith.addf %add3A_227, %mul3A_233 : vector<16xf32>
      %add3A_235 = arith.constant 9 : i32
      %add3A_236 = vector.broadcast %add3A_235 : i32 to vector<16xi32>
      %add3A_237 = arith.addi %and3A_167, %add3A_236 : vector<16xi32>
      %gather3A_238 = tpu.vector_load_idx %arg24[%shift_right_arithmetic3A_164, %add3A_237] : memref<320x128xf32, #tpu.memory_space<vmem>>[vector<16xi32>, vector<16xi32>], vector<16xf32>,
      %mul3A_239 = vector.broadcast %squeeze3A_52 : f32 to vector<16xf32>
      %mul3A_240 = arith.mulf %mul3A_239, %gather3A_238 : vector<16xf32>
      %add3A_241 = arith.addf %add3A_234, %mul3A_240 : vector<16xf32>
      %add3A_242 = arith.constant 10 : i32
      %add3A_243 = vector.broadcast %add3A_242 : i32 to vector<16xi32>
      %add3A_244 = arith.addi %and3A_167, %add3A_243 : vector<16xi32>
      %gather3A_245 = tpu.vector_load_idx %arg24[%shift_right_arithmetic3A_164, %add3A_244] : memref<320x128xf32, #tpu.memory_space<vmem>>[vector<16xi32>, vector<16xi32>], vector<16xf32>,
      %mul3A_246 = vector.broadcast %squeeze3A_54 : f32 to vector<16xf32>
      %mul3A_247 = arith.mulf %mul3A_246, %gather3A_245 : vector<16xf32>
      %add3A_248 = arith.addf %add3A_241, %mul3A_247 : vector<16xf32>
      %add3A_249 = arith.constant 11 : i32
      %add3A_250 = vector.broadcast %add3A_249 : i32 to vector<16xi32>
      %add3A_251 = arith.addi %and3A_167, %add3A_250 : vector<16xi32>
      %gather3A_252 = tpu.vector_load_idx %arg24[%shift_right_arithmetic3A_164, %add3A_251] : memref<320x128xf32, #tpu.memory_space<vmem>>[vector<16xi32>, vector<16xi32>], vector<16xf32>,
      %mul3A_253 = vector.broadcast %squeeze3A_56 : f32 to vector<16xf32>
      %mul3A_254 = arith.mulf %mul3A_253, %gather3A_252 : vector<16xf32>
      %add3A_255 = arith.addf %add3A_248, %mul3A_254 : vector<16xf32>
      %add3A_256 = arith.constant 12 : i32
      %add3A_257 = vector.broadcast %add3A_256 : i32 to vector<16xi32>
      %add3A_258 = arith.addi %and3A_167, %add3A_257 : vector<16xi32>
      %gather3A_259 = tpu.vector_load_idx %arg24[%shift_right_arithmetic3A_164, %add3A_258] : memref<320x128xf32, #tpu.memory_space<vmem>>[vector<16xi32>, vector<16xi32>], vector<16xf32>,
      %mul3A_260 = vector.broadcast %squeeze3A_58 : f32 to vector<16xf32>
      %mul3A_261 = arith.mulf %mul3A_260, %gather3A_259 : vector<16xf32>
      %add3A_262 = arith.addf %add3A_255, %mul3A_261 : vector<16xf32>
      %add3A_263 = arith.constant 13 : i32
      %add3A_264 = vector.broadcast %add3A_263 : i32 to vector<16xi32>
      %add3A_265 = arith.addi %and3A_167, %add3A_264 : vector<16xi32>
      %gather3A_266 = tpu.vector_load_idx %arg24[%shift_right_arithmetic3A_164, %add3A_265] : memref<320x128xf32, #tpu.memory_space<vmem>>[vector<16xi32>, vector<16xi32>], vector<16xf32>,
      %mul3A_267 = vector.broadcast %squeeze3A_60 : f32 to vector<16xf32>
      %mul3A_268 = arith.mulf %mul3A_267, %gather3A_266 : vector<16xf32>
      %add3A_269 = arith.addf %add3A_262, %mul3A_268 : vector<16xf32>
      %add3A_270 = arith.constant 14 : i32
      %add3A_271 = vector.broadcast %add3A_270 : i32 to vector<16xi32>
      %add3A_272 = arith.addi %and3A_167, %add3A_271 : vector<16xi32>
      %gather3A_273 = tpu.vector_load_idx %arg24[%shift_right_arithmetic3A_164, %add3A_272] : memref<320x128xf32, #tpu.memory_space<vmem>>[vector<16xi32>, vector<16xi32>], vector<16xf32>,
      %mul3A_274 = vector.broadcast %squeeze3A_62 : f32 to vector<16xf32>
      %mul3A_275 = arith.mulf %mul3A_274, %gather3A_273 : vector<16xf32>
      %add3A_276 = arith.addf %add3A_269, %mul3A_275 : vector<16xf32>
      %add3A_277 = arith.constant 15 : i32
      %add3A_278 = vector.broadcast %add3A_277 : i32 to vector<16xi32>
      %add3A_279 = arith.addi %and3A_167, %add3A_278 : vector<16xi32>
      %gather3A_280 = tpu.vector_load_idx %arg24[%shift_right_arithmetic3A_164, %add3A_279] : memref<320x128xf32, #tpu.memory_space<vmem>>[vector<16xi32>, vector<16xi32>], vector<16xf32>,
      %mul3A_281 = vector.broadcast %squeeze3A_64 : f32 to vector<16xf32>
      %mul3A_282 = arith.mulf %mul3A_281, %gather3A_280 : vector<16xf32>
      %add3A_283 = arith.addf %add3A_276, %mul3A_282 : vector<16xf32>
      %swap3A_284 = arith.index_cast %add3A_152 : i32 to index
      %swap3A_285 = tpu.vector_load %arg23[%swap3A_284] {strides = array<i32>} : memref<5056xf32, #tpu.memory_space<vmem>>, vector<16xf32>,
      tpu.vector_store %arg23[%swap3A_284], %add3A_283 {strides = array<i32>} : memref<5056xf32, #tpu.memory_space<vmem>>, vector<16xf32>,
      %shift_right_arithmetic3A_286 = arith.constant 7 : i32
      %shift_right_arithmetic3A_287 = vector.broadcast %shift_right_arithmetic3A_286 : i32 to vector<16xi32>
      %shift_right_arithmetic3A_288 = arith.shrsi %get3A_156, %shift_right_arithmetic3A_287 : vector<16xi32>
      %and3A_289 = arith.constant 127 : i32
      %and3A_290 = vector.broadcast %and3A_289 : i32 to vector<16xi32>
      %and3A_291 = arith.andi %get3A_156, %and3A_290 : vector<16xi32>
      tpu.vector_store_idx %arg16[%shift_right_arithmetic3A_288, %and3A_291], %add3A_283 {add = true} : memref<80x128xf32, #tpu.memory_space<vmem>>[vector<16xi32>, vector<16xi32>], vector<16xf32>,
      tpu.vector_store_idx %arg19[%get3A_158], %add3A_283 {add = true} : memref<128xf32, #tpu.memory_space<vmem>>[vector<16xi32>], vector<16xf32>,
    }
    %convert_element_type3A_138 = arith.extui %lt3A_1 : i1 to i32
    %cond3A_139 = arith.constant 0 : i32
    %cond3A_140 = arith.cmpi ne, %convert_element_type3A_138, %cond3A_139 : i32
    scf.if %cond3A_140 {
      "tpu.region"() ({
        %run_scoped3A = tpu.sem_alloc : memref<!tpu.dma_semaphore, #tpu.memory_space<semaphore_mem>>
        %dma_start3A = arith.constant 0 : i32
        %dma_start3A_148 = tpu.memref_slice %arg23[%dma_start3A] : memref<5056xf32, #tpu.memory_space<vmem>> -> memref<5056xf32, #tpu.memory_space<vmem>>
        %dma_start3A_149 = tpu.memref_slice %arg11[%mul3A_9] : memref<160000xf32, #tpu.memory_space<hbm>> -> memref<5056xf32, #tpu.memory_space<hbm>>
        %dma_start3A_150 = tpu.memref_slice %arg11[%mul3A_9] : memref<160000xf32, #tpu.memory_space<hbm>> -> memref<5056xf32, #tpu.memory_space<hbm>>
        %dma_start3A_151 = arith.constant 0 : i32
        %dma_start3A_152 = tpu.memref_slice %arg23[%dma_start3A_151] : memref<5056xf32, #tpu.memory_space<vmem>> -> memref<5056xf32, #tpu.memory_space<vmem>>
        tpu.enqueue_dma source(%dma_start3A_152 : memref<5056xf32, #tpu.memory_space<vmem>>) target(%dma_start3A_150 : memref<5056xf32, #tpu.memory_space<hbm>>) target_semaphore(%run_scoped3A : memref<!tpu.dma_semaphore, #tpu.memory_space<semaphore_mem>>)
        %dma_wait3A = arith.constant 0 : i32
        %dma_wait3A_153 = tpu.memref_slice %arg23[%dma_wait3A] : memref<5056xf32, #tpu.memory_space<vmem>> -> memref<5056xf32, #tpu.memory_space<vmem>>
        %dma_wait3A_154 = tpu.memref_slice %arg11[%mul3A_9] : memref<160000xf32, #tpu.memory_space<hbm>> -> memref<5056xf32, #tpu.memory_space<hbm>>
        %dma_wait3A_155 = tpu.memref_slice %arg11[%mul3A_9] : memref<160000xf32, #tpu.memory_space<hbm>> -> memref<5056xf32, #tpu.memory_space<hbm>>
        %dma_wait3A_156 = arith.constant 0 : i32
        %dma_wait3A_157 = tpu.memref_slice %arg23[%dma_wait3A_156] : memref<5056xf32, #tpu.memory_space<vmem>> -> memref<5056xf32, #tpu.memory_space<vmem>>
        tpu.wait_dma2 semaphore(%run_scoped3A : memref<!tpu.dma_semaphore, #tpu.memory_space<semaphore_mem>>) src(%dma_wait3A_157 : memref<5056xf32, #tpu.memory_space<vmem>>) dst(%dma_wait3A_155 : memref<5056xf32, #tpu.memory_space<hbm>>)
        tpu.yield
      }) : () -> ()
    } else {
    }
    %not3A_141 = arith.constant true
    %not3A_142 = arith.xori %lt3A_1, %not3A_141 : i1
    %convert_element_type3A_143 = arith.extui %not3A_142 : i1 to i32
    %cond3A_144 = arith.constant 0 : i32
    %cond3A_145 = arith.cmpi ne, %convert_element_type3A_143, %cond3A_144 : i32
    scf.if %cond3A_145 {
      "tpu.region"() ({
        %run_scoped3A = tpu.sem_alloc : memref<!tpu.dma_semaphore, #tpu.memory_space<semaphore_mem>>
        %dma_start3A = arith.constant 0 : i32
        %dma_start3A_148 = tpu.memref_slice %arg23[%dma_start3A] : memref<5056xf32, #tpu.memory_space<vmem>> -> memref<4992xf32, #tpu.memory_space<vmem>>
        %dma_start3A_149 = tpu.memref_slice %arg11[%mul3A_9] : memref<160000xf32, #tpu.memory_space<hbm>> -> memref<4992xf32, #tpu.memory_space<hbm>>
        %dma_start3A_150 = tpu.memref_slice %arg11[%mul3A_9] : memref<160000xf32, #tpu.memory_space<hbm>> -> memref<4992xf32, #tpu.memory_space<hbm>>
        %dma_start3A_151 = arith.constant 0 : i32
        %dma_start3A_152 = tpu.memref_slice %arg23[%dma_start3A_151] : memref<5056xf32, #tpu.memory_space<vmem>> -> memref<4992xf32, #tpu.memory_space<vmem>>
        tpu.enqueue_dma source(%dma_start3A_152 : memref<4992xf32, #tpu.memory_space<vmem>>) target(%dma_start3A_150 : memref<4992xf32, #tpu.memory_space<hbm>>) target_semaphore(%run_scoped3A : memref<!tpu.dma_semaphore, #tpu.memory_space<semaphore_mem>>)
        %dma_wait3A = arith.constant 0 : i32
        %dma_wait3A_153 = tpu.memref_slice %arg23[%dma_wait3A] : memref<5056xf32, #tpu.memory_space<vmem>> -> memref<4992xf32, #tpu.memory_space<vmem>>
        %dma_wait3A_154 = tpu.memref_slice %arg11[%mul3A_9] : memref<160000xf32, #tpu.memory_space<hbm>> -> memref<4992xf32, #tpu.memory_space<hbm>>
        %dma_wait3A_155 = tpu.memref_slice %arg11[%mul3A_9] : memref<160000xf32, #tpu.memory_space<hbm>> -> memref<4992xf32, #tpu.memory_space<hbm>>
        %dma_wait3A_156 = arith.constant 0 : i32
        %dma_wait3A_157 = tpu.memref_slice %arg23[%dma_wait3A_156] : memref<5056xf32, #tpu.memory_space<vmem>> -> memref<4992xf32, #tpu.memory_space<vmem>>
        tpu.wait_dma2 semaphore(%run_scoped3A : memref<!tpu.dma_semaphore, #tpu.memory_space<semaphore_mem>>) src(%dma_wait3A_157 : memref<4992xf32, #tpu.memory_space<vmem>>) dst(%dma_wait3A_155 : memref<4992xf32, #tpu.memory_space<hbm>>)
        tpu.yield
      }) : () -> ()
    } else {
    }
    %mul3A_146 = arith.constant 80 : i32
    %mul3A_147 = arith.muli %add3A, %mul3A_146 : i32
    "tpu.region"() ({
      %run_scoped3A = tpu.sem_alloc : memref<!tpu.dma_semaphore, #tpu.memory_space<semaphore_mem>>
      %dma_start3A = arith.constant 0 : i32
      %dma_start3A_148 = tpu.memref_slice %arg12[%mul3A_147, %dma_start3A] : memref<2560x128xf32, #tpu.memory_space<hbm>> -> memref<80x128xf32, #tpu.memory_space<hbm>>
      %dma_start3A_149 = arith.constant 0 : i32
      %dma_start3A_150 = tpu.memref_slice %arg12[%mul3A_147, %dma_start3A_149] : memref<2560x128xf32, #tpu.memory_space<hbm>> -> memref<80x128xf32, #tpu.memory_space<hbm>>
      tpu.enqueue_dma source(%arg16 : memref<80x128xf32, #tpu.memory_space<vmem>>) target(%dma_start3A_150 : memref<80x128xf32, #tpu.memory_space<hbm>>) target_semaphore(%run_scoped3A : memref<!tpu.dma_semaphore, #tpu.memory_space<semaphore_mem>>)
      %dma_wait3A = arith.constant 0 : i32
      %dma_wait3A_151 = tpu.memref_slice %arg12[%mul3A_147, %dma_wait3A] : memref<2560x128xf32, #tpu.memory_space<hbm>> -> memref<80x128xf32, #tpu.memory_space<hbm>>
      %dma_wait3A_152 = arith.constant 0 : i32
      %dma_wait3A_153 = tpu.memref_slice %arg12[%mul3A_147, %dma_wait3A_152] : memref<2560x128xf32, #tpu.memory_space<hbm>> -> memref<80x128xf32, #tpu.memory_space<hbm>>
      tpu.wait_dma2 semaphore(%run_scoped3A : memref<!tpu.dma_semaphore, #tpu.memory_space<semaphore_mem>>) src(%arg16 : memref<80x128xf32, #tpu.memory_space<vmem>>) dst(%dma_wait3A_153 : memref<80x128xf32, #tpu.memory_space<hbm>>)
      tpu.yield
    }) : () -> ()
    "tpu.region"() ({
      %run_scoped3A = tpu.sem_alloc : memref<!tpu.dma_semaphore, #tpu.memory_space<semaphore_mem>>
      %dma_start3A = arith.constant 0 : i32
      %dma_start3A_148 = tpu.memref_slice %arg13[%add3A, %dma_start3A] : memref<32x128xf32, #tpu.memory_space<hbm>> -> memref<1x128xf32, #tpu.memory_space<hbm>>
      %dma_start3A_149 = tpu.memref_squeeze %dma_start3A_148 : memref<1x128xf32, #tpu.memory_space<hbm>> -> memref<128xf32, #tpu.memory_space<hbm>>
      %dma_start3A_150 = arith.constant 0 : i32
      %dma_start3A_151 = tpu.memref_slice %arg13[%add3A, %dma_start3A_150] : memref<32x128xf32, #tpu.memory_space<hbm>> -> memref<1x128xf32, #tpu.memory_space<hbm>>
      %dma_start3A_152 = tpu.memref_squeeze %dma_start3A_151 : memref<1x128xf32, #tpu.memory_space<hbm>> -> memref<128xf32, #tpu.memory_space<hbm>>
      tpu.enqueue_dma source(%arg19 : memref<128xf32, #tpu.memory_space<vmem>>) target(%dma_start3A_152 : memref<128xf32, #tpu.memory_space<hbm>>) target_semaphore(%run_scoped3A : memref<!tpu.dma_semaphore, #tpu.memory_space<semaphore_mem>>)
      %dma_wait3A = arith.constant 0 : i32
      %dma_wait3A_153 = tpu.memref_slice %arg13[%add3A, %dma_wait3A] : memref<32x128xf32, #tpu.memory_space<hbm>> -> memref<1x128xf32, #tpu.memory_space<hbm>>
      %dma_wait3A_154 = tpu.memref_squeeze %dma_wait3A_153 : memref<1x128xf32, #tpu.memory_space<hbm>> -> memref<128xf32, #tpu.memory_space<hbm>>
      %dma_wait3A_155 = arith.constant 0 : i32
      %dma_wait3A_156 = tpu.memref_slice %arg13[%add3A, %dma_wait3A_155] : memref<32x128xf32, #tpu.memory_space<hbm>> -> memref<1x128xf32, #tpu.memory_space<hbm>>
      %dma_wait3A_157 = tpu.memref_squeeze %dma_wait3A_156 : memref<1x128xf32, #tpu.memory_space<hbm>> -> memref<128xf32, #tpu.memory_space<hbm>>
      tpu.wait_dma2 semaphore(%run_scoped3A : memref<!tpu.dma_semaphore, #tpu.memory_space<semaphore_mem>>) src(%arg19 : memref<128xf32, #tpu.memory_space<vmem>>) dst(%dma_wait3A_157 : memref<128xf32, #tpu.memory_space<hbm>>)
      tpu.yield
    }) : () -> ()
    return
  }
}

module attributes {stable_mosaic.version = 14 : i64} {
  func.func @_xproj_body(%arg0: i32, %arg1: memref<8x256xf32, #tpu.memory_space<vmem>>, %arg2: memref<8x128xf32, #tpu.memory_space<vmem>>, %arg3: memref<8x1xf32, #tpu.memory_space<vmem>>, %arg4: memref<16x128xf32, #tpu.memory_space<vmem>>, %arg5: memref<2048x256xf32, #tpu.memory_space<vmem>>, %arg6: memref<8x2048xf32, #tpu.memory_space<vmem>>, %arg7: memref<8x16xf32, #tpu.memory_space<vmem>>) attributes {dimension_semantics = [#tpu.dimension_semantics<arbitrary>], iteration_bounds = array<i64: 5>, scalar_prefetch = 0 : i64, scratch_operands = 0 : i64, tpu.core_type = #tpu.core_type<tc>, window_params = [{pipeline_mode = #tpu.pipeline_mode<synchronous>, transform_indices = @transform_0, window_bounds = array<i64: 8, 256>}, {pipeline_mode = #tpu.pipeline_mode<synchronous>, transform_indices = @transform_1, window_bounds = array<i64: 8, 128>}, {pipeline_mode = #tpu.pipeline_mode<synchronous>, transform_indices = @transform_2, window_bounds = array<i64: 8, 1>}, {pipeline_mode = #tpu.pipeline_mode<synchronous>, transform_indices = @transform_3, window_bounds = array<i64: 16, 128>}, {transform_indices = @transform_4, window_bounds = array<i64: 2048, 256>}, {transform_indices = @transform_5, window_bounds = array<i64: 8, 2048>}, {pipeline_mode = #tpu.pipeline_mode<synchronous>, transform_indices = @transform_6, window_bounds = array<i64: 8, 16>}]} {
    %get3A = arith.constant 0 : index
    %get3A_0 = arith.constant 0 : index
    %get3A_1 = vector.load %arg1[%get3A, %get3A_0] : memref<8x256xf32, #tpu.memory_space<vmem>>, vector<8x256xf32>
    %get3A_2 = arith.constant 0 : index
    %get3A_3 = arith.constant 0 : index
    %get3A_4 = vector.load %arg5[%get3A_2, %get3A_3] : memref<2048x256xf32, #tpu.memory_space<vmem>>, vector<2048x256xf32>
    %dot_general3A = arith.constant dense<0.000000e+00> : vector<8x2048xf32>
    %dot_general3A_5 = tpu.matmul %get3A_1, %get3A_4, %dot_general3A {dimension_numbers = #tpu.dot_dimension_numbers<[1], [1], [0], [0], [0, 0, 1, 0], [], []>, transpose_lhs_hint = false} : vector<8x256xf32>, vector<2048x256xf32>, vector<8x2048xf32> -> vector<8x2048xf32>
    %swap3A = arith.constant 0 : index
    %swap3A_6 = arith.constant 0 : index
    %swap3A_7 = vector.load %arg6[%swap3A, %swap3A_6] : memref<8x2048xf32, #tpu.memory_space<vmem>>, vector<8x2048xf32>
    tpu.vector_store %arg6[%swap3A, %swap3A_6], %dot_general3A_5 {strides = array<i32>} : memref<8x2048xf32, #tpu.memory_space<vmem>>, vector<8x2048xf32>,
    %eq3A = arith.constant 0 : i32
    %eq3A_8 = arith.cmpi eq, %arg0, %eq3A : i32
    %convert_element_type3A = arith.extui %eq3A_8 : i1 to i32
    %cond3A = arith.constant 0 : i32
    %cond3A_9 = arith.cmpi ne, %convert_element_type3A, %cond3A : i32
    scf.if %cond3A_9 {
      %get3A_10 = arith.constant 0 : index
      %get3A_11 = arith.constant 0 : index
      %get3A_12 = vector.load %arg2[%get3A_10, %get3A_11] : memref<8x128xf32, #tpu.memory_space<vmem>>, vector<8x128xf32>
      %get3A_13 = arith.constant 0 : index
      %get3A_14 = arith.constant 0 : index
      %get3A_15 = vector.load %arg4[%get3A_13, %get3A_14] : memref<16x128xf32, #tpu.memory_space<vmem>>, vector<16x128xf32>
      %dot_general3A_16 = arith.constant dense<0.000000e+00> : vector<8x16xf32>
      %dot_general3A_17 = tpu.matmul %get3A_12, %get3A_15, %dot_general3A_16 {dimension_numbers = #tpu.dot_dimension_numbers<[1], [1], [0], [0], [0, 0, 1, 0], [], []>, transpose_lhs_hint = false} : vector<8x128xf32>, vector<16x128xf32>, vector<8x16xf32> -> vector<8x16xf32>
      %get3A_18 = arith.constant 0 : index
      %get3A_19 = arith.constant 0 : index
      %get3A_20 = vector.load %arg3[%get3A_18, %get3A_19] : memref<8x1xf32, #tpu.memory_space<vmem>>, vector<8x1xf32>
      %add3A = vector.broadcast %get3A_20 : vector<8x1xf32> to vector<8x16xf32>
      %add3A_21 = arith.addf %dot_general3A_17, %add3A : vector<8x16xf32>
      %swap3A_22 = arith.constant 0 : index
      %swap3A_23 = arith.constant 0 : index
      %swap3A_24 = vector.load %arg7[%swap3A_22, %swap3A_23] : memref<8x16xf32, #tpu.memory_space<vmem>>, vector<8x16xf32>
      tpu.vector_store %arg7[%swap3A_22, %swap3A_23], %add3A_21 {strides = array<i32>} : memref<8x16xf32, #tpu.memory_space<vmem>>, vector<8x16xf32>,
    } else {
    }
    return
  }
  func.func @transform_0(%arg0: i32) -> (i32, i32) {
    %c0_i32 = arith.constant 0 : i32
    %c0_i32_0 = arith.constant 0 : i32
    %c0_i32_1 = arith.constant 0 : i32
    return %c0_i32, %c0_i32_0 : i32, i32
  }
  func.func @transform_1(%arg0: i32) -> (i32, i32) {
    %c0_i32 = arith.constant 0 : i32
    %c0_i32_0 = arith.constant 0 : i32
    %c0_i32_1 = arith.constant 0 : i32
    return %c0_i32, %c0_i32_0 : i32, i32
  }
  func.func @transform_2(%arg0: i32) -> (i32, i32) {
    %c0_i32 = arith.constant 0 : i32
    %c0_i32_0 = arith.constant 0 : i32
    %c0_i32_1 = arith.constant 0 : i32
    return %c0_i32, %c0_i32_0 : i32, i32
  }
  func.func @transform_3(%arg0: i32) -> (i32, i32) {
    %c0_i32 = arith.constant 0 : i32
    %c0_i32_0 = arith.constant 0 : i32
    %c0_i32_1 = arith.constant 0 : i32
    return %c0_i32, %c0_i32_0 : i32, i32
  }
  func.func @transform_4(%arg0: i32) -> (i32, i32) {
    %c0_i32 = arith.constant 0 : i32
    %c0_i32_0 = arith.constant 0 : i32
    return %arg0, %c0_i32 : i32, i32
  }
  func.func @transform_5(%arg0: i32) -> (i32, i32) {
    %c0_i32 = arith.constant 0 : i32
    %c0_i32_0 = arith.constant 0 : i32
    return %c0_i32, %arg0 : i32, i32
  }
  func.func @transform_6(%arg0: i32) -> (i32, i32) {
    %c0_i32 = arith.constant 0 : i32
    %c0_i32_0 = arith.constant 0 : i32
    %c0_i32_1 = arith.constant 0 : i32
    return %c0_i32, %c0_i32_0 : i32, i32
  }
}

module attributes {stable_mosaic.version = 14 : i64} {
  func.func @_finish_body(%arg0: memref<2560x128xf32, #tpu.memory_space<vmem>>, %arg1: memref<80x128xf32, #tpu.memory_space<vmem>>, %arg2: memref<80x128xi32, #tpu.memory_space<vmem>>, %arg3: memref<8x16xf32, #tpu.memory_space<vmem>>, %arg4: memref<32x128xf32, #tpu.memory_space<vmem>>, %arg5: memref<4xf32, #tpu.memory_space<smem>>, %arg6: memref<80x128xf32, #tpu.memory_space<vmem>>, %arg7: memref<8x16xf32, #tpu.memory_space<vmem>>) attributes {dimension_semantics = [], scalar_prefetch = 0 : i64, scratch_operands = 0 : i64, tpu.core_type = #tpu.core_type<tc>} {
    %get3A = arith.constant 0 : index
    %get3A_0 = memref.load %arg5[%get3A] : memref<4xf32, #tpu.memory_space<smem>>
    %get3A_1 = arith.constant 1 : index
    %get3A_2 = memref.load %arg5[%get3A_1] : memref<4xf32, #tpu.memory_space<smem>>
    %get3A_3 = arith.constant 2 : index
    %get3A_4 = memref.load %arg5[%get3A_3] : memref<4xf32, #tpu.memory_space<smem>>
    %get3A_5 = arith.constant 3 : index
    %get3A_6 = memref.load %arg5[%get3A_5] : memref<4xf32, #tpu.memory_space<smem>>
    %get3A_7 = arith.constant 0 : index
    %get3A_8 = arith.constant 0 : index
    %get3A_9 = vector.load %arg0[%get3A_7, %get3A_8] : memref<2560x128xf32, #tpu.memory_space<vmem>>, vector<80x128xf32>
    %get3A_10 = arith.constant 80 : index
    %get3A_11 = arith.constant 0 : index
    %get3A_12 = vector.load %arg0[%get3A_10, %get3A_11] : memref<2560x128xf32, #tpu.memory_space<vmem>>, vector<80x128xf32>
    %add3A = arith.addf %get3A_9, %get3A_12 : vector<80x128xf32>
    %get3A_13 = arith.constant 160 : index
    %get3A_14 = arith.constant 0 : index
    %get3A_15 = vector.load %arg0[%get3A_13, %get3A_14] : memref<2560x128xf32, #tpu.memory_space<vmem>>, vector<80x128xf32>
    %add3A_16 = arith.addf %add3A, %get3A_15 : vector<80x128xf32>
    %get3A_17 = arith.constant 240 : index
    %get3A_18 = arith.constant 0 : index
    %get3A_19 = vector.load %arg0[%get3A_17, %get3A_18] : memref<2560x128xf32, #tpu.memory_space<vmem>>, vector<80x128xf32>
    %add3A_20 = arith.addf %add3A_16, %get3A_19 : vector<80x128xf32>
    %get3A_21 = arith.constant 320 : index
    %get3A_22 = arith.constant 0 : index
    %get3A_23 = vector.load %arg0[%get3A_21, %get3A_22] : memref<2560x128xf32, #tpu.memory_space<vmem>>, vector<80x128xf32>
    %add3A_24 = arith.addf %add3A_20, %get3A_23 : vector<80x128xf32>
    %get3A_25 = arith.constant 400 : index
    %get3A_26 = arith.constant 0 : index
    %get3A_27 = vector.load %arg0[%get3A_25, %get3A_26] : memref<2560x128xf32, #tpu.memory_space<vmem>>, vector<80x128xf32>
    %add3A_28 = arith.addf %add3A_24, %get3A_27 : vector<80x128xf32>
    %get3A_29 = arith.constant 480 : index
    %get3A_30 = arith.constant 0 : index
    %get3A_31 = vector.load %arg0[%get3A_29, %get3A_30] : memref<2560x128xf32, #tpu.memory_space<vmem>>, vector<80x128xf32>
    %add3A_32 = arith.addf %add3A_28, %get3A_31 : vector<80x128xf32>
    %get3A_33 = arith.constant 560 : index
    %get3A_34 = arith.constant 0 : index
    %get3A_35 = vector.load %arg0[%get3A_33, %get3A_34] : memref<2560x128xf32, #tpu.memory_space<vmem>>, vector<80x128xf32>
    %add3A_36 = arith.addf %add3A_32, %get3A_35 : vector<80x128xf32>
    %get3A_37 = arith.constant 640 : index
    %get3A_38 = arith.constant 0 : index
    %get3A_39 = vector.load %arg0[%get3A_37, %get3A_38] : memref<2560x128xf32, #tpu.memory_space<vmem>>, vector<80x128xf32>
    %add3A_40 = arith.addf %add3A_36, %get3A_39 : vector<80x128xf32>
    %get3A_41 = arith.constant 720 : index
    %get3A_42 = arith.constant 0 : index
    %get3A_43 = vector.load %arg0[%get3A_41, %get3A_42] : memref<2560x128xf32, #tpu.memory_space<vmem>>, vector<80x128xf32>
    %add3A_44 = arith.addf %add3A_40, %get3A_43 : vector<80x128xf32>
    %get3A_45 = arith.constant 800 : index
    %get3A_46 = arith.constant 0 : index
    %get3A_47 = vector.load %arg0[%get3A_45, %get3A_46] : memref<2560x128xf32, #tpu.memory_space<vmem>>, vector<80x128xf32>
    %add3A_48 = arith.addf %add3A_44, %get3A_47 : vector<80x128xf32>
    %get3A_49 = arith.constant 880 : index
    %get3A_50 = arith.constant 0 : index
    %get3A_51 = vector.load %arg0[%get3A_49, %get3A_50] : memref<2560x128xf32, #tpu.memory_space<vmem>>, vector<80x128xf32>
    %add3A_52 = arith.addf %add3A_48, %get3A_51 : vector<80x128xf32>
    %get3A_53 = arith.constant 960 : index
    %get3A_54 = arith.constant 0 : index
    %get3A_55 = vector.load %arg0[%get3A_53, %get3A_54] : memref<2560x128xf32, #tpu.memory_space<vmem>>, vector<80x128xf32>
    %add3A_56 = arith.addf %add3A_52, %get3A_55 : vector<80x128xf32>
    %get3A_57 = arith.constant 1040 : index
    %get3A_58 = arith.constant 0 : index
    %get3A_59 = vector.load %arg0[%get3A_57, %get3A_58] : memref<2560x128xf32, #tpu.memory_space<vmem>>, vector<80x128xf32>
    %add3A_60 = arith.addf %add3A_56, %get3A_59 : vector<80x128xf32>
    %get3A_61 = arith.constant 1120 : index
    %get3A_62 = arith.constant 0 : index
    %get3A_63 = vector.load %arg0[%get3A_61, %get3A_62] : memref<2560x128xf32, #tpu.memory_space<vmem>>, vector<80x128xf32>
    %add3A_64 = arith.addf %add3A_60, %get3A_63 : vector<80x128xf32>
    %get3A_65 = arith.constant 1200 : index
    %get3A_66 = arith.constant 0 : index
    %get3A_67 = vector.load %arg0[%get3A_65, %get3A_66] : memref<2560x128xf32, #tpu.memory_space<vmem>>, vector<80x128xf32>
    %add3A_68 = arith.addf %add3A_64, %get3A_67 : vector<80x128xf32>
    %get3A_69 = arith.constant 1280 : index
    %get3A_70 = arith.constant 0 : index
    %get3A_71 = vector.load %arg0[%get3A_69, %get3A_70] : memref<2560x128xf32, #tpu.memory_space<vmem>>, vector<80x128xf32>
    %add3A_72 = arith.addf %add3A_68, %get3A_71 : vector<80x128xf32>
    %get3A_73 = arith.constant 1360 : index
    %get3A_74 = arith.constant 0 : index
    %get3A_75 = vector.load %arg0[%get3A_73, %get3A_74] : memref<2560x128xf32, #tpu.memory_space<vmem>>, vector<80x128xf32>
    %add3A_76 = arith.addf %add3A_72, %get3A_75 : vector<80x128xf32>
    %get3A_77 = arith.constant 1440 : index
    %get3A_78 = arith.constant 0 : index
    %get3A_79 = vector.load %arg0[%get3A_77, %get3A_78] : memref<2560x128xf32, #tpu.memory_space<vmem>>, vector<80x128xf32>
    %add3A_80 = arith.addf %add3A_76, %get3A_79 : vector<80x128xf32>
    %get3A_81 = arith.constant 1520 : index
    %get3A_82 = arith.constant 0 : index
    %get3A_83 = vector.load %arg0[%get3A_81, %get3A_82] : memref<2560x128xf32, #tpu.memory_space<vmem>>, vector<80x128xf32>
    %add3A_84 = arith.addf %add3A_80, %get3A_83 : vector<80x128xf32>
    %get3A_85 = arith.constant 1600 : index
    %get3A_86 = arith.constant 0 : index
    %get3A_87 = vector.load %arg0[%get3A_85, %get3A_86] : memref<2560x128xf32, #tpu.memory_space<vmem>>, vector<80x128xf32>
    %add3A_88 = arith.addf %add3A_84, %get3A_87 : vector<80x128xf32>
    %get3A_89 = arith.constant 1680 : index
    %get3A_90 = arith.constant 0 : index
    %get3A_91 = vector.load %arg0[%get3A_89, %get3A_90] : memref<2560x128xf32, #tpu.memory_space<vmem>>, vector<80x128xf32>
    %add3A_92 = arith.addf %add3A_88, %get3A_91 : vector<80x128xf32>
    %get3A_93 = arith.constant 1760 : index
    %get3A_94 = arith.constant 0 : index
    %get3A_95 = vector.load %arg0[%get3A_93, %get3A_94] : memref<2560x128xf32, #tpu.memory_space<vmem>>, vector<80x128xf32>
    %add3A_96 = arith.addf %add3A_92, %get3A_95 : vector<80x128xf32>
    %get3A_97 = arith.constant 1840 : index
    %get3A_98 = arith.constant 0 : index
    %get3A_99 = vector.load %arg0[%get3A_97, %get3A_98] : memref<2560x128xf32, #tpu.memory_space<vmem>>, vector<80x128xf32>
    %add3A_100 = arith.addf %add3A_96, %get3A_99 : vector<80x128xf32>
    %get3A_101 = arith.constant 1920 : index
    %get3A_102 = arith.constant 0 : index
    %get3A_103 = vector.load %arg0[%get3A_101, %get3A_102] : memref<2560x128xf32, #tpu.memory_space<vmem>>, vector<80x128xf32>
    %add3A_104 = arith.addf %add3A_100, %get3A_103 : vector<80x128xf32>
    %get3A_105 = arith.constant 2000 : index
    %get3A_106 = arith.constant 0 : index
    %get3A_107 = vector.load %arg0[%get3A_105, %get3A_106] : memref<2560x128xf32, #tpu.memory_space<vmem>>, vector<80x128xf32>
    %add3A_108 = arith.addf %add3A_104, %get3A_107 : vector<80x128xf32>
    %get3A_109 = arith.constant 2080 : index
    %get3A_110 = arith.constant 0 : index
    %get3A_111 = vector.load %arg0[%get3A_109, %get3A_110] : memref<2560x128xf32, #tpu.memory_space<vmem>>, vector<80x128xf32>
    %add3A_112 = arith.addf %add3A_108, %get3A_111 : vector<80x128xf32>
    %get3A_113 = arith.constant 2160 : index
    %get3A_114 = arith.constant 0 : index
    %get3A_115 = vector.load %arg0[%get3A_113, %get3A_114] : memref<2560x128xf32, #tpu.memory_space<vmem>>, vector<80x128xf32>
    %add3A_116 = arith.addf %add3A_112, %get3A_115 : vector<80x128xf32>
    %get3A_117 = arith.constant 2240 : index
    %get3A_118 = arith.constant 0 : index
    %get3A_119 = vector.load %arg0[%get3A_117, %get3A_118] : memref<2560x128xf32, #tpu.memory_space<vmem>>, vector<80x128xf32>
    %add3A_120 = arith.addf %add3A_116, %get3A_119 : vector<80x128xf32>
    %get3A_121 = arith.constant 2320 : index
    %get3A_122 = arith.constant 0 : index
    %get3A_123 = vector.load %arg0[%get3A_121, %get3A_122] : memref<2560x128xf32, #tpu.memory_space<vmem>>, vector<80x128xf32>
    %add3A_124 = arith.addf %add3A_120, %get3A_123 : vector<80x128xf32>
    %get3A_125 = arith.constant 2400 : index
    %get3A_126 = arith.constant 0 : index
    %get3A_127 = vector.load %arg0[%get3A_125, %get3A_126] : memref<2560x128xf32, #tpu.memory_space<vmem>>, vector<80x128xf32>
    %add3A_128 = arith.addf %add3A_124, %get3A_127 : vector<80x128xf32>
    %get3A_129 = arith.constant 2480 : index
    %get3A_130 = arith.constant 0 : index
    %get3A_131 = vector.load %arg0[%get3A_129, %get3A_130] : memref<2560x128xf32, #tpu.memory_space<vmem>>, vector<80x128xf32>
    %add3A_132 = arith.addf %add3A_128, %get3A_131 : vector<80x128xf32>
    %get3A_133 = arith.constant 0 : index
    %get3A_134 = arith.constant 0 : index
    %get3A_135 = vector.load %arg2[%get3A_133, %get3A_134] : memref<80x128xi32, #tpu.memory_space<vmem>>, vector<80x128xi32>
    %get3A_136 = arith.constant 0 : index
    %get3A_137 = arith.constant 0 : index
    %get3A_138 = vector.load %arg1[%get3A_136, %get3A_137] : memref<80x128xf32, #tpu.memory_space<vmem>>, vector<80x128xf32>
    %add3A_139 = vector.broadcast %get3A_6 : f32 to vector<80x128xf32>
    %add3A_140 = arith.addf %get3A_138, %add3A_139 : vector<80x128xf32>
    %broadcast_in_dim3A = arith.constant 0.000000e+00 : f32
    %broadcast_in_dim3A_141 = vector.broadcast %broadcast_in_dim3A : f32 to vector<80x128xf32>
    %eq3A = arith.constant 0 : i32
    %eq3A_142 = vector.broadcast %eq3A : i32 to vector<80x128xi32>
    %eq3A_143 = arith.cmpi eq, %get3A_135, %eq3A_142 : vector<80x128xi32>
    %get3A_144 = arith.constant 1 : index
    %get3A_145 = arith.constant 0 : index
    %get3A_146 = vector.load %arg3[%get3A_144, %get3A_145] : memref<8x16xf32, #tpu.memory_space<vmem>>, vector<1x1xf32>
    %get3A_147 = vector.extract %get3A_146[0, 0] : f32 from vector<1x1xf32>
    %jit3A = arith.constant 0.000000e+00 : f32
    %broadcast_in_dim3A_148 = vector.broadcast %get3A_147 : f32 to vector<80x128xf32>
    %broadcast_in_dim3A_149 = vector.broadcast %jit3A : f32 to vector<80x128xf32>
    %select_n3A = arith.select %eq3A_143, %broadcast_in_dim3A_148, %broadcast_in_dim3A_149 : vector<80x128xi1>, vector<80x128xf32>
    %add3A_150 = arith.addf %broadcast_in_dim3A_141, %select_n3A : vector<80x128xf32>
    %eq3A_151 = arith.constant 1 : i32
    %eq3A_152 = vector.broadcast %eq3A_151 : i32 to vector<80x128xi32>
    %eq3A_153 = arith.cmpi eq, %get3A_135, %eq3A_152 : vector<80x128xi32>
    %get3A_154 = arith.constant 1 : index
    %get3A_155 = arith.constant 1 : index
    %get3A_156 = vector.load %arg3[%get3A_154, %get3A_155] : memref<8x16xf32, #tpu.memory_space<vmem>>, vector<1x1xf32>
    %get3A_157 = vector.extract %get3A_156[0, 0] : f32 from vector<1x1xf32>
    %jit3A_158 = arith.constant 0.000000e+00 : f32
    %broadcast_in_dim3A_159 = vector.broadcast %get3A_157 : f32 to vector<80x128xf32>
    %broadcast_in_dim3A_160 = vector.broadcast %jit3A_158 : f32 to vector<80x128xf32>
    %select_n3A_161 = arith.select %eq3A_153, %broadcast_in_dim3A_159, %broadcast_in_dim3A_160 : vector<80x128xi1>, vector<80x128xf32>
    %add3A_162 = arith.addf %add3A_150, %select_n3A_161 : vector<80x128xf32>
    %eq3A_163 = arith.constant 2 : i32
    %eq3A_164 = vector.broadcast %eq3A_163 : i32 to vector<80x128xi32>
    %eq3A_165 = arith.cmpi eq, %get3A_135, %eq3A_164 : vector<80x128xi32>
    %get3A_166 = arith.constant 1 : index
    %get3A_167 = arith.constant 2 : index
    %get3A_168 = vector.load %arg3[%get3A_166, %get3A_167] : memref<8x16xf32, #tpu.memory_space<vmem>>, vector<1x1xf32>
    %get3A_169 = vector.extract %get3A_168[0, 0] : f32 from vector<1x1xf32>
    %jit3A_170 = arith.constant 0.000000e+00 : f32
    %broadcast_in_dim3A_171 = vector.broadcast %get3A_169 : f32 to vector<80x128xf32>
    %broadcast_in_dim3A_172 = vector.broadcast %jit3A_170 : f32 to vector<80x128xf32>
    %select_n3A_173 = arith.select %eq3A_165, %broadcast_in_dim3A_171, %broadcast_in_dim3A_172 : vector<80x128xi1>, vector<80x128xf32>
    %add3A_174 = arith.addf %add3A_162, %select_n3A_173 : vector<80x128xf32>
    %eq3A_175 = arith.constant 3 : i32
    %eq3A_176 = vector.broadcast %eq3A_175 : i32 to vector<80x128xi32>
    %eq3A_177 = arith.cmpi eq, %get3A_135, %eq3A_176 : vector<80x128xi32>
    %get3A_178 = arith.constant 1 : index
    %get3A_179 = arith.constant 3 : index
    %get3A_180 = vector.load %arg3[%get3A_178, %get3A_179] : memref<8x16xf32, #tpu.memory_space<vmem>>, vector<1x1xf32>
    %get3A_181 = vector.extract %get3A_180[0, 0] : f32 from vector<1x1xf32>
    %jit3A_182 = arith.constant 0.000000e+00 : f32
    %broadcast_in_dim3A_183 = vector.broadcast %get3A_181 : f32 to vector<80x128xf32>
    %broadcast_in_dim3A_184 = vector.broadcast %jit3A_182 : f32 to vector<80x128xf32>
    %select_n3A_185 = arith.select %eq3A_177, %broadcast_in_dim3A_183, %broadcast_in_dim3A_184 : vector<80x128xi1>, vector<80x128xf32>
    %add3A_186 = arith.addf %add3A_174, %select_n3A_185 : vector<80x128xf32>
    %eq3A_187 = arith.constant 4 : i32
    %eq3A_188 = vector.broadcast %eq3A_187 : i32 to vector<80x128xi32>
    %eq3A_189 = arith.cmpi eq, %get3A_135, %eq3A_188 : vector<80x128xi32>
    %get3A_190 = arith.constant 1 : index
    %get3A_191 = arith.constant 4 : index
    %get3A_192 = vector.load %arg3[%get3A_190, %get3A_191] : memref<8x16xf32, #tpu.memory_space<vmem>>, vector<1x1xf32>
    %get3A_193 = vector.extract %get3A_192[0, 0] : f32 from vector<1x1xf32>
    %jit3A_194 = arith.constant 0.000000e+00 : f32
    %broadcast_in_dim3A_195 = vector.broadcast %get3A_193 : f32 to vector<80x128xf32>
    %broadcast_in_dim3A_196 = vector.broadcast %jit3A_194 : f32 to vector<80x128xf32>
    %select_n3A_197 = arith.select %eq3A_189, %broadcast_in_dim3A_195, %broadcast_in_dim3A_196 : vector<80x128xi1>, vector<80x128xf32>
    %add3A_198 = arith.addf %add3A_186, %select_n3A_197 : vector<80x128xf32>
    %eq3A_199 = arith.constant 5 : i32
    %eq3A_200 = vector.broadcast %eq3A_199 : i32 to vector<80x128xi32>
    %eq3A_201 = arith.cmpi eq, %get3A_135, %eq3A_200 : vector<80x128xi32>
    %get3A_202 = arith.constant 1 : index
    %get3A_203 = arith.constant 5 : index
    %get3A_204 = vector.load %arg3[%get3A_202, %get3A_203] : memref<8x16xf32, #tpu.memory_space<vmem>>, vector<1x1xf32>
    %get3A_205 = vector.extract %get3A_204[0, 0] : f32 from vector<1x1xf32>
    %jit3A_206 = arith.constant 0.000000e+00 : f32
    %broadcast_in_dim3A_207 = vector.broadcast %get3A_205 : f32 to vector<80x128xf32>
    %broadcast_in_dim3A_208 = vector.broadcast %jit3A_206 : f32 to vector<80x128xf32>
    %select_n3A_209 = arith.select %eq3A_201, %broadcast_in_dim3A_207, %broadcast_in_dim3A_208 : vector<80x128xi1>, vector<80x128xf32>
    %add3A_210 = arith.addf %add3A_198, %select_n3A_209 : vector<80x128xf32>
    %eq3A_211 = arith.constant 6 : i32
    %eq3A_212 = vector.broadcast %eq3A_211 : i32 to vector<80x128xi32>
    %eq3A_213 = arith.cmpi eq, %get3A_135, %eq3A_212 : vector<80x128xi32>
    %get3A_214 = arith.constant 1 : index
    %get3A_215 = arith.constant 6 : index
    %get3A_216 = vector.load %arg3[%get3A_214, %get3A_215] : memref<8x16xf32, #tpu.memory_space<vmem>>, vector<1x1xf32>
    %get3A_217 = vector.extract %get3A_216[0, 0] : f32 from vector<1x1xf32>
    %jit3A_218 = arith.constant 0.000000e+00 : f32
    %broadcast_in_dim3A_219 = vector.broadcast %get3A_217 : f32 to vector<80x128xf32>
    %broadcast_in_dim3A_220 = vector.broadcast %jit3A_218 : f32 to vector<80x128xf32>
    %select_n3A_221 = arith.select %eq3A_213, %broadcast_in_dim3A_219, %broadcast_in_dim3A_220 : vector<80x128xi1>, vector<80x128xf32>
    %add3A_222 = arith.addf %add3A_210, %select_n3A_221 : vector<80x128xf32>
    %eq3A_223 = arith.constant 7 : i32
    %eq3A_224 = vector.broadcast %eq3A_223 : i32 to vector<80x128xi32>
    %eq3A_225 = arith.cmpi eq, %get3A_135, %eq3A_224 : vector<80x128xi32>
    %get3A_226 = arith.constant 1 : index
    %get3A_227 = arith.constant 7 : index
    %get3A_228 = vector.load %arg3[%get3A_226, %get3A_227] : memref<8x16xf32, #tpu.memory_space<vmem>>, vector<1x1xf32>
    %get3A_229 = vector.extract %get3A_228[0, 0] : f32 from vector<1x1xf32>
    %jit3A_230 = arith.constant 0.000000e+00 : f32
    %broadcast_in_dim3A_231 = vector.broadcast %get3A_229 : f32 to vector<80x128xf32>
    %broadcast_in_dim3A_232 = vector.broadcast %jit3A_230 : f32 to vector<80x128xf32>
    %select_n3A_233 = arith.select %eq3A_225, %broadcast_in_dim3A_231, %broadcast_in_dim3A_232 : vector<80x128xi1>, vector<80x128xf32>
    %add3A_234 = arith.addf %add3A_222, %select_n3A_233 : vector<80x128xf32>
    %eq3A_235 = arith.constant 8 : i32
    %eq3A_236 = vector.broadcast %eq3A_235 : i32 to vector<80x128xi32>
    %eq3A_237 = arith.cmpi eq, %get3A_135, %eq3A_236 : vector<80x128xi32>
    %get3A_238 = arith.constant 1 : index
    %get3A_239 = arith.constant 8 : index
    %get3A_240 = vector.load %arg3[%get3A_238, %get3A_239] : memref<8x16xf32, #tpu.memory_space<vmem>>, vector<1x1xf32>
    %get3A_241 = vector.extract %get3A_240[0, 0] : f32 from vector<1x1xf32>
    %jit3A_242 = arith.constant 0.000000e+00 : f32
    %broadcast_in_dim3A_243 = vector.broadcast %get3A_241 : f32 to vector<80x128xf32>
    %broadcast_in_dim3A_244 = vector.broadcast %jit3A_242 : f32 to vector<80x128xf32>
    %select_n3A_245 = arith.select %eq3A_237, %broadcast_in_dim3A_243, %broadcast_in_dim3A_244 : vector<80x128xi1>, vector<80x128xf32>
    %add3A_246 = arith.addf %add3A_234, %select_n3A_245 : vector<80x128xf32>
    %eq3A_247 = arith.constant 9 : i32
    %eq3A_248 = vector.broadcast %eq3A_247 : i32 to vector<80x128xi32>
    %eq3A_249 = arith.cmpi eq, %get3A_135, %eq3A_248 : vector<80x128xi32>
    %get3A_250 = arith.constant 1 : index
    %get3A_251 = arith.constant 9 : index
    %get3A_252 = vector.load %arg3[%get3A_250, %get3A_251] : memref<8x16xf32, #tpu.memory_space<vmem>>, vector<1x1xf32>
    %get3A_253 = vector.extract %get3A_252[0, 0] : f32 from vector<1x1xf32>
    %jit3A_254 = arith.constant 0.000000e+00 : f32
    %broadcast_in_dim3A_255 = vector.broadcast %get3A_253 : f32 to vector<80x128xf32>
    %broadcast_in_dim3A_256 = vector.broadcast %jit3A_254 : f32 to vector<80x128xf32>
    %select_n3A_257 = arith.select %eq3A_249, %broadcast_in_dim3A_255, %broadcast_in_dim3A_256 : vector<80x128xi1>, vector<80x128xf32>
    %add3A_258 = arith.addf %add3A_246, %select_n3A_257 : vector<80x128xf32>
    %eq3A_259 = arith.constant 10 : i32
    %eq3A_260 = vector.broadcast %eq3A_259 : i32 to vector<80x128xi32>
    %eq3A_261 = arith.cmpi eq, %get3A_135, %eq3A_260 : vector<80x128xi32>
    %get3A_262 = arith.constant 1 : index
    %get3A_263 = arith.constant 10 : index
    %get3A_264 = vector.load %arg3[%get3A_262, %get3A_263] : memref<8x16xf32, #tpu.memory_space<vmem>>, vector<1x1xf32>
    %get3A_265 = vector.extract %get3A_264[0, 0] : f32 from vector<1x1xf32>
    %jit3A_266 = arith.constant 0.000000e+00 : f32
    %broadcast_in_dim3A_267 = vector.broadcast %get3A_265 : f32 to vector<80x128xf32>
    %broadcast_in_dim3A_268 = vector.broadcast %jit3A_266 : f32 to vector<80x128xf32>
    %select_n3A_269 = arith.select %eq3A_261, %broadcast_in_dim3A_267, %broadcast_in_dim3A_268 : vector<80x128xi1>, vector<80x128xf32>
    %add3A_270 = arith.addf %add3A_258, %select_n3A_269 : vector<80x128xf32>
    %eq3A_271 = arith.constant 11 : i32
    %eq3A_272 = vector.broadcast %eq3A_271 : i32 to vector<80x128xi32>
    %eq3A_273 = arith.cmpi eq, %get3A_135, %eq3A_272 : vector<80x128xi32>
    %get3A_274 = arith.constant 1 : index
    %get3A_275 = arith.constant 11 : index
    %get3A_276 = vector.load %arg3[%get3A_274, %get3A_275] : memref<8x16xf32, #tpu.memory_space<vmem>>, vector<1x1xf32>
    %get3A_277 = vector.extract %get3A_276[0, 0] : f32 from vector<1x1xf32>
    %jit3A_278 = arith.constant 0.000000e+00 : f32
    %broadcast_in_dim3A_279 = vector.broadcast %get3A_277 : f32 to vector<80x128xf32>
    %broadcast_in_dim3A_280 = vector.broadcast %jit3A_278 : f32 to vector<80x128xf32>
    %select_n3A_281 = arith.select %eq3A_273, %broadcast_in_dim3A_279, %broadcast_in_dim3A_280 : vector<80x128xi1>, vector<80x128xf32>
    %add3A_282 = arith.addf %add3A_270, %select_n3A_281 : vector<80x128xf32>
    %eq3A_283 = arith.constant 12 : i32
    %eq3A_284 = vector.broadcast %eq3A_283 : i32 to vector<80x128xi32>
    %eq3A_285 = arith.cmpi eq, %get3A_135, %eq3A_284 : vector<80x128xi32>
    %get3A_286 = arith.constant 1 : index
    %get3A_287 = arith.constant 12 : index
    %get3A_288 = vector.load %arg3[%get3A_286, %get3A_287] : memref<8x16xf32, #tpu.memory_space<vmem>>, vector<1x1xf32>
    %get3A_289 = vector.extract %get3A_288[0, 0] : f32 from vector<1x1xf32>
    %jit3A_290 = arith.constant 0.000000e+00 : f32
    %broadcast_in_dim3A_291 = vector.broadcast %get3A_289 : f32 to vector<80x128xf32>
    %broadcast_in_dim3A_292 = vector.broadcast %jit3A_290 : f32 to vector<80x128xf32>
    %select_n3A_293 = arith.select %eq3A_285, %broadcast_in_dim3A_291, %broadcast_in_dim3A_292 : vector<80x128xi1>, vector<80x128xf32>
    %add3A_294 = arith.addf %add3A_282, %select_n3A_293 : vector<80x128xf32>
    %eq3A_295 = arith.constant 13 : i32
    %eq3A_296 = vector.broadcast %eq3A_295 : i32 to vector<80x128xi32>
    %eq3A_297 = arith.cmpi eq, %get3A_135, %eq3A_296 : vector<80x128xi32>
    %get3A_298 = arith.constant 1 : index
    %get3A_299 = arith.constant 13 : index
    %get3A_300 = vector.load %arg3[%get3A_298, %get3A_299] : memref<8x16xf32, #tpu.memory_space<vmem>>, vector<1x1xf32>
    %get3A_301 = vector.extract %get3A_300[0, 0] : f32 from vector<1x1xf32>
    %jit3A_302 = arith.constant 0.000000e+00 : f32
    %broadcast_in_dim3A_303 = vector.broadcast %get3A_301 : f32 to vector<80x128xf32>
    %broadcast_in_dim3A_304 = vector.broadcast %jit3A_302 : f32 to vector<80x128xf32>
    %select_n3A_305 = arith.select %eq3A_297, %broadcast_in_dim3A_303, %broadcast_in_dim3A_304 : vector<80x128xi1>, vector<80x128xf32>
    %add3A_306 = arith.addf %add3A_294, %select_n3A_305 : vector<80x128xf32>
    %eq3A_307 = arith.constant 14 : i32
    %eq3A_308 = vector.broadcast %eq3A_307 : i32 to vector<80x128xi32>
    %eq3A_309 = arith.cmpi eq, %get3A_135, %eq3A_308 : vector<80x128xi32>
    %get3A_310 = arith.constant 1 : index
    %get3A_311 = arith.constant 14 : index
    %get3A_312 = vector.load %arg3[%get3A_310, %get3A_311] : memref<8x16xf32, #tpu.memory_space<vmem>>, vector<1x1xf32>
    %get3A_313 = vector.extract %get3A_312[0, 0] : f32 from vector<1x1xf32>
    %jit3A_314 = arith.constant 0.000000e+00 : f32
    %broadcast_in_dim3A_315 = vector.broadcast %get3A_313 : f32 to vector<80x128xf32>
    %broadcast_in_dim3A_316 = vector.broadcast %jit3A_314 : f32 to vector<80x128xf32>
    %select_n3A_317 = arith.select %eq3A_309, %broadcast_in_dim3A_315, %broadcast_in_dim3A_316 : vector<80x128xi1>, vector<80x128xf32>
    %add3A_318 = arith.addf %add3A_306, %select_n3A_317 : vector<80x128xf32>
    %eq3A_319 = arith.constant 15 : i32
    %eq3A_320 = vector.broadcast %eq3A_319 : i32 to vector<80x128xi32>
    %eq3A_321 = arith.cmpi eq, %get3A_135, %eq3A_320 : vector<80x128xi32>
    %get3A_322 = arith.constant 1 : index
    %get3A_323 = arith.constant 15 : index
    %get3A_324 = vector.load %arg3[%get3A_322, %get3A_323] : memref<8x16xf32, #tpu.memory_space<vmem>>, vector<1x1xf32>
    %get3A_325 = vector.extract %get3A_324[0, 0] : f32 from vector<1x1xf32>
    %jit3A_326 = arith.constant 0.000000e+00 : f32
    %broadcast_in_dim3A_327 = vector.broadcast %get3A_325 : f32 to vector<80x128xf32>
    %broadcast_in_dim3A_328 = vector.broadcast %jit3A_326 : f32 to vector<80x128xf32>
    %select_n3A_329 = arith.select %eq3A_321, %broadcast_in_dim3A_327, %broadcast_in_dim3A_328 : vector<80x128xi1>, vector<80x128xf32>
    %add3A_330 = arith.addf %add3A_318, %select_n3A_329 : vector<80x128xf32>
    %add3A_331 = arith.addf %add3A_140, %add3A_330 : vector<80x128xf32>
    %mul3A = vector.broadcast %get3A_0 : f32 to vector<80x128xf32>
    %mul3A_332 = arith.mulf %mul3A, %add3A_132 : vector<80x128xf32>
    %add3A_333 = arith.addf %add3A_331, %mul3A_332 : vector<80x128xf32>
    %swap3A = arith.constant 0 : index
    %swap3A_334 = arith.constant 0 : index
    %swap3A_335 = vector.load %arg6[%swap3A, %swap3A_334] : memref<80x128xf32, #tpu.memory_space<vmem>>, vector<80x128xf32>
    tpu.vector_store %arg6[%swap3A, %swap3A_334], %add3A_333 {strides = array<i32>} : memref<80x128xf32, #tpu.memory_space<vmem>>, vector<80x128xf32>,
    %iota3A = tpu.iota {dimensions = array<i32: 1>} : vector<1x128xi32>
    %broadcast_in_dim3A_336 = arith.constant 0.000000e+00 : f32
    %broadcast_in_dim3A_337 = vector.broadcast %broadcast_in_dim3A_336 : f32 to vector<1x128xf32>
    %eq3A_338 = arith.constant 0 : i32
    %eq3A_339 = vector.broadcast %eq3A_338 : i32 to vector<80x128xi32>
    %eq3A_340 = arith.cmpi eq, %get3A_135, %eq3A_339 : vector<80x128xi32>
    %jit3A_341 = arith.constant 0.000000e+00 : f32
    %broadcast_in_dim3A_342 = vector.broadcast %jit3A_341 : f32 to vector<80x128xf32>
    %select_n3A_343 = arith.select %eq3A_340, %add3A_333, %broadcast_in_dim3A_342 : vector<80x128xi1>, vector<80x128xf32>
    %reduce_sum3A = vector.shape_cast %select_n3A_343 : vector<80x128xf32> to vector<1x80x128xf32>
    %reduce_sum3A_344 = arith.constant dense<0.000000e+00> : vector<1xf32>
    %reduce_sum3A_345 = vector.multi_reduction <add>, %reduce_sum3A, %reduce_sum3A_344 [1, 2] : vector<1x80x128xf32> to vector<1xf32>
    %reduce_sum3A_346 = vector.shape_cast %reduce_sum3A_345 : vector<1xf32> to vector<1x1x1xf32>
    %reduce_sum3A_347 = vector.extract %reduce_sum3A_346[0, 0, 0] : f32 from vector<1x1x1xf32>
    %eq3A_348 = arith.constant 0 : i32
    %eq3A_349 = vector.broadcast %eq3A_348 : i32 to vector<1x128xi32>
    %eq3A_350 = arith.cmpi eq, %iota3A, %eq3A_349 : vector<1x128xi32>
    %jit3A_351 = arith.constant 0.000000e+00 : f32
    %broadcast_in_dim3A_352 = vector.broadcast %reduce_sum3A_347 : f32 to vector<1x128xf32>
    %broadcast_in_dim3A_353 = vector.broadcast %jit3A_351 : f32 to vector<1x128xf32>
    %select_n3A_354 = arith.select %eq3A_350, %broadcast_in_dim3A_352, %broadcast_in_dim3A_353 : vector<1x128xi1>, vector<1x128xf32>
    %add3A_355 = arith.addf %broadcast_in_dim3A_337, %select_n3A_354 : vector<1x128xf32>
    %eq3A_356 = arith.constant 1 : i32
    %eq3A_357 = vector.broadcast %eq3A_356 : i32 to vector<80x128xi32>
    %eq3A_358 = arith.cmpi eq, %get3A_135, %eq3A_357 : vector<80x128xi32>
    %jit3A_359 = arith.constant 0.000000e+00 : f32
    %broadcast_in_dim3A_360 = vector.broadcast %jit3A_359 : f32 to vector<80x128xf32>
    %select_n3A_361 = arith.select %eq3A_358, %add3A_333, %broadcast_in_dim3A_360 : vector<80x128xi1>, vector<80x128xf32>
    %reduce_sum3A_362 = vector.shape_cast %select_n3A_361 : vector<80x128xf32> to vector<1x80x128xf32>
    %reduce_sum3A_363 = arith.constant dense<0.000000e+00> : vector<1xf32>
    %reduce_sum3A_364 = vector.multi_reduction <add>, %reduce_sum3A_362, %reduce_sum3A_363 [1, 2] : vector<1x80x128xf32> to vector<1xf32>
    %reduce_sum3A_365 = vector.shape_cast %reduce_sum3A_364 : vector<1xf32> to vector<1x1x1xf32>
    %reduce_sum3A_366 = vector.extract %reduce_sum3A_365[0, 0, 0] : f32 from vector<1x1x1xf32>
    %eq3A_367 = arith.constant 1 : i32
    %eq3A_368 = vector.broadcast %eq3A_367 : i32 to vector<1x128xi32>
    %eq3A_369 = arith.cmpi eq, %iota3A, %eq3A_368 : vector<1x128xi32>
    %jit3A_370 = arith.constant 0.000000e+00 : f32
    %broadcast_in_dim3A_371 = vector.broadcast %reduce_sum3A_366 : f32 to vector<1x128xf32>
    %broadcast_in_dim3A_372 = vector.broadcast %jit3A_370 : f32 to vector<1x128xf32>
    %select_n3A_373 = arith.select %eq3A_369, %broadcast_in_dim3A_371, %broadcast_in_dim3A_372 : vector<1x128xi1>, vector<1x128xf32>
    %add3A_374 = arith.addf %add3A_355, %select_n3A_373 : vector<1x128xf32>
    %eq3A_375 = arith.constant 2 : i32
    %eq3A_376 = vector.broadcast %eq3A_375 : i32 to vector<80x128xi32>
    %eq3A_377 = arith.cmpi eq, %get3A_135, %eq3A_376 : vector<80x128xi32>
    %jit3A_378 = arith.constant 0.000000e+00 : f32
    %broadcast_in_dim3A_379 = vector.broadcast %jit3A_378 : f32 to vector<80x128xf32>
    %select_n3A_380 = arith.select %eq3A_377, %add3A_333, %broadcast_in_dim3A_379 : vector<80x128xi1>, vector<80x128xf32>
    %reduce_sum3A_381 = vector.shape_cast %select_n3A_380 : vector<80x128xf32> to vector<1x80x128xf32>
    %reduce_sum3A_382 = arith.constant dense<0.000000e+00> : vector<1xf32>
    %reduce_sum3A_383 = vector.multi_reduction <add>, %reduce_sum3A_381, %reduce_sum3A_382 [1, 2] : vector<1x80x128xf32> to vector<1xf32>
    %reduce_sum3A_384 = vector.shape_cast %reduce_sum3A_383 : vector<1xf32> to vector<1x1x1xf32>
    %reduce_sum3A_385 = vector.extract %reduce_sum3A_384[0, 0, 0] : f32 from vector<1x1x1xf32>
    %eq3A_386 = arith.constant 2 : i32
    %eq3A_387 = vector.broadcast %eq3A_386 : i32 to vector<1x128xi32>
    %eq3A_388 = arith.cmpi eq, %iota3A, %eq3A_387 : vector<1x128xi32>
    %jit3A_389 = arith.constant 0.000000e+00 : f32
    %broadcast_in_dim3A_390 = vector.broadcast %reduce_sum3A_385 : f32 to vector<1x128xf32>
    %broadcast_in_dim3A_391 = vector.broadcast %jit3A_389 : f32 to vector<1x128xf32>
    %select_n3A_392 = arith.select %eq3A_388, %broadcast_in_dim3A_390, %broadcast_in_dim3A_391 : vector<1x128xi1>, vector<1x128xf32>
    %add3A_393 = arith.addf %add3A_374, %select_n3A_392 : vector<1x128xf32>
    %eq3A_394 = arith.constant 3 : i32
    %eq3A_395 = vector.broadcast %eq3A_394 : i32 to vector<80x128xi32>
    %eq3A_396 = arith.cmpi eq, %get3A_135, %eq3A_395 : vector<80x128xi32>
    %jit3A_397 = arith.constant 0.000000e+00 : f32
    %broadcast_in_dim3A_398 = vector.broadcast %jit3A_397 : f32 to vector<80x128xf32>
    %select_n3A_399 = arith.select %eq3A_396, %add3A_333, %broadcast_in_dim3A_398 : vector<80x128xi1>, vector<80x128xf32>
    %reduce_sum3A_400 = vector.shape_cast %select_n3A_399 : vector<80x128xf32> to vector<1x80x128xf32>
    %reduce_sum3A_401 = arith.constant dense<0.000000e+00> : vector<1xf32>
    %reduce_sum3A_402 = vector.multi_reduction <add>, %reduce_sum3A_400, %reduce_sum3A_401 [1, 2] : vector<1x80x128xf32> to vector<1xf32>
    %reduce_sum3A_403 = vector.shape_cast %reduce_sum3A_402 : vector<1xf32> to vector<1x1x1xf32>
    %reduce_sum3A_404 = vector.extract %reduce_sum3A_403[0, 0, 0] : f32 from vector<1x1x1xf32>
    %eq3A_405 = arith.constant 3 : i32
    %eq3A_406 = vector.broadcast %eq3A_405 : i32 to vector<1x128xi32>
    %eq3A_407 = arith.cmpi eq, %iota3A, %eq3A_406 : vector<1x128xi32>
    %jit3A_408 = arith.constant 0.000000e+00 : f32
    %broadcast_in_dim3A_409 = vector.broadcast %reduce_sum3A_404 : f32 to vector<1x128xf32>
    %broadcast_in_dim3A_410 = vector.broadcast %jit3A_408 : f32 to vector<1x128xf32>
    %select_n3A_411 = arith.select %eq3A_407, %broadcast_in_dim3A_409, %broadcast_in_dim3A_410 : vector<1x128xi1>, vector<1x128xf32>
    %add3A_412 = arith.addf %add3A_393, %select_n3A_411 : vector<1x128xf32>
    %eq3A_413 = arith.constant 4 : i32
    %eq3A_414 = vector.broadcast %eq3A_413 : i32 to vector<80x128xi32>
    %eq3A_415 = arith.cmpi eq, %get3A_135, %eq3A_414 : vector<80x128xi32>
    %jit3A_416 = arith.constant 0.000000e+00 : f32
    %broadcast_in_dim3A_417 = vector.broadcast %jit3A_416 : f32 to vector<80x128xf32>
    %select_n3A_418 = arith.select %eq3A_415, %add3A_333, %broadcast_in_dim3A_417 : vector<80x128xi1>, vector<80x128xf32>
    %reduce_sum3A_419 = vector.shape_cast %select_n3A_418 : vector<80x128xf32> to vector<1x80x128xf32>
    %reduce_sum3A_420 = arith.constant dense<0.000000e+00> : vector<1xf32>
    %reduce_sum3A_421 = vector.multi_reduction <add>, %reduce_sum3A_419, %reduce_sum3A_420 [1, 2] : vector<1x80x128xf32> to vector<1xf32>
    %reduce_sum3A_422 = vector.shape_cast %reduce_sum3A_421 : vector<1xf32> to vector<1x1x1xf32>
    %reduce_sum3A_423 = vector.extract %reduce_sum3A_422[0, 0, 0] : f32 from vector<1x1x1xf32>
    %eq3A_424 = arith.constant 4 : i32
    %eq3A_425 = vector.broadcast %eq3A_424 : i32 to vector<1x128xi32>
    %eq3A_426 = arith.cmpi eq, %iota3A, %eq3A_425 : vector<1x128xi32>
    %jit3A_427 = arith.constant 0.000000e+00 : f32
    %broadcast_in_dim3A_428 = vector.broadcast %reduce_sum3A_423 : f32 to vector<1x128xf32>
    %broadcast_in_dim3A_429 = vector.broadcast %jit3A_427 : f32 to vector<1x128xf32>
    %select_n3A_430 = arith.select %eq3A_426, %broadcast_in_dim3A_428, %broadcast_in_dim3A_429 : vector<1x128xi1>, vector<1x128xf32>
    %add3A_431 = arith.addf %add3A_412, %select_n3A_430 : vector<1x128xf32>
    %eq3A_432 = arith.constant 5 : i32
    %eq3A_433 = vector.broadcast %eq3A_432 : i32 to vector<80x128xi32>
    %eq3A_434 = arith.cmpi eq, %get3A_135, %eq3A_433 : vector<80x128xi32>
    %jit3A_435 = arith.constant 0.000000e+00 : f32
    %broadcast_in_dim3A_436 = vector.broadcast %jit3A_435 : f32 to vector<80x128xf32>
    %select_n3A_437 = arith.select %eq3A_434, %add3A_333, %broadcast_in_dim3A_436 : vector<80x128xi1>, vector<80x128xf32>
    %reduce_sum3A_438 = vector.shape_cast %select_n3A_437 : vector<80x128xf32> to vector<1x80x128xf32>
    %reduce_sum3A_439 = arith.constant dense<0.000000e+00> : vector<1xf32>
    %reduce_sum3A_440 = vector.multi_reduction <add>, %reduce_sum3A_438, %reduce_sum3A_439 [1, 2] : vector<1x80x128xf32> to vector<1xf32>
    %reduce_sum3A_441 = vector.shape_cast %reduce_sum3A_440 : vector<1xf32> to vector<1x1x1xf32>
    %reduce_sum3A_442 = vector.extract %reduce_sum3A_441[0, 0, 0] : f32 from vector<1x1x1xf32>
    %eq3A_443 = arith.constant 5 : i32
    %eq3A_444 = vector.broadcast %eq3A_443 : i32 to vector<1x128xi32>
    %eq3A_445 = arith.cmpi eq, %iota3A, %eq3A_444 : vector<1x128xi32>
    %jit3A_446 = arith.constant 0.000000e+00 : f32
    %broadcast_in_dim3A_447 = vector.broadcast %reduce_sum3A_442 : f32 to vector<1x128xf32>
    %broadcast_in_dim3A_448 = vector.broadcast %jit3A_446 : f32 to vector<1x128xf32>
    %select_n3A_449 = arith.select %eq3A_445, %broadcast_in_dim3A_447, %broadcast_in_dim3A_448 : vector<1x128xi1>, vector<1x128xf32>
    %add3A_450 = arith.addf %add3A_431, %select_n3A_449 : vector<1x128xf32>
    %eq3A_451 = arith.constant 6 : i32
    %eq3A_452 = vector.broadcast %eq3A_451 : i32 to vector<80x128xi32>
    %eq3A_453 = arith.cmpi eq, %get3A_135, %eq3A_452 : vector<80x128xi32>
    %jit3A_454 = arith.constant 0.000000e+00 : f32
    %broadcast_in_dim3A_455 = vector.broadcast %jit3A_454 : f32 to vector<80x128xf32>
    %select_n3A_456 = arith.select %eq3A_453, %add3A_333, %broadcast_in_dim3A_455 : vector<80x128xi1>, vector<80x128xf32>
    %reduce_sum3A_457 = vector.shape_cast %select_n3A_456 : vector<80x128xf32> to vector<1x80x128xf32>
    %reduce_sum3A_458 = arith.constant dense<0.000000e+00> : vector<1xf32>
    %reduce_sum3A_459 = vector.multi_reduction <add>, %reduce_sum3A_457, %reduce_sum3A_458 [1, 2] : vector<1x80x128xf32> to vector<1xf32>
    %reduce_sum3A_460 = vector.shape_cast %reduce_sum3A_459 : vector<1xf32> to vector<1x1x1xf32>
    %reduce_sum3A_461 = vector.extract %reduce_sum3A_460[0, 0, 0] : f32 from vector<1x1x1xf32>
    %eq3A_462 = arith.constant 6 : i32
    %eq3A_463 = vector.broadcast %eq3A_462 : i32 to vector<1x128xi32>
    %eq3A_464 = arith.cmpi eq, %iota3A, %eq3A_463 : vector<1x128xi32>
    %jit3A_465 = arith.constant 0.000000e+00 : f32
    %broadcast_in_dim3A_466 = vector.broadcast %reduce_sum3A_461 : f32 to vector<1x128xf32>
    %broadcast_in_dim3A_467 = vector.broadcast %jit3A_465 : f32 to vector<1x128xf32>
    %select_n3A_468 = arith.select %eq3A_464, %broadcast_in_dim3A_466, %broadcast_in_dim3A_467 : vector<1x128xi1>, vector<1x128xf32>
    %add3A_469 = arith.addf %add3A_450, %select_n3A_468 : vector<1x128xf32>
    %eq3A_470 = arith.constant 7 : i32
    %eq3A_471 = vector.broadcast %eq3A_470 : i32 to vector<80x128xi32>
    %eq3A_472 = arith.cmpi eq, %get3A_135, %eq3A_471 : vector<80x128xi32>
    %jit3A_473 = arith.constant 0.000000e+00 : f32
    %broadcast_in_dim3A_474 = vector.broadcast %jit3A_473 : f32 to vector<80x128xf32>
    %select_n3A_475 = arith.select %eq3A_472, %add3A_333, %broadcast_in_dim3A_474 : vector<80x128xi1>, vector<80x128xf32>
    %reduce_sum3A_476 = vector.shape_cast %select_n3A_475 : vector<80x128xf32> to vector<1x80x128xf32>
    %reduce_sum3A_477 = arith.constant dense<0.000000e+00> : vector<1xf32>
    %reduce_sum3A_478 = vector.multi_reduction <add>, %reduce_sum3A_476, %reduce_sum3A_477 [1, 2] : vector<1x80x128xf32> to vector<1xf32>
    %reduce_sum3A_479 = vector.shape_cast %reduce_sum3A_478 : vector<1xf32> to vector<1x1x1xf32>
    %reduce_sum3A_480 = vector.extract %reduce_sum3A_479[0, 0, 0] : f32 from vector<1x1x1xf32>
    %eq3A_481 = arith.constant 7 : i32
    %eq3A_482 = vector.broadcast %eq3A_481 : i32 to vector<1x128xi32>
    %eq3A_483 = arith.cmpi eq, %iota3A, %eq3A_482 : vector<1x128xi32>
    %jit3A_484 = arith.constant 0.000000e+00 : f32
    %broadcast_in_dim3A_485 = vector.broadcast %reduce_sum3A_480 : f32 to vector<1x128xf32>
    %broadcast_in_dim3A_486 = vector.broadcast %jit3A_484 : f32 to vector<1x128xf32>
    %select_n3A_487 = arith.select %eq3A_483, %broadcast_in_dim3A_485, %broadcast_in_dim3A_486 : vector<1x128xi1>, vector<1x128xf32>
    %add3A_488 = arith.addf %add3A_469, %select_n3A_487 : vector<1x128xf32>
    %eq3A_489 = arith.constant 8 : i32
    %eq3A_490 = vector.broadcast %eq3A_489 : i32 to vector<80x128xi32>
    %eq3A_491 = arith.cmpi eq, %get3A_135, %eq3A_490 : vector<80x128xi32>
    %jit3A_492 = arith.constant 0.000000e+00 : f32
    %broadcast_in_dim3A_493 = vector.broadcast %jit3A_492 : f32 to vector<80x128xf32>
    %select_n3A_494 = arith.select %eq3A_491, %add3A_333, %broadcast_in_dim3A_493 : vector<80x128xi1>, vector<80x128xf32>
    %reduce_sum3A_495 = vector.shape_cast %select_n3A_494 : vector<80x128xf32> to vector<1x80x128xf32>
    %reduce_sum3A_496 = arith.constant dense<0.000000e+00> : vector<1xf32>
    %reduce_sum3A_497 = vector.multi_reduction <add>, %reduce_sum3A_495, %reduce_sum3A_496 [1, 2] : vector<1x80x128xf32> to vector<1xf32>
    %reduce_sum3A_498 = vector.shape_cast %reduce_sum3A_497 : vector<1xf32> to vector<1x1x1xf32>
    %reduce_sum3A_499 = vector.extract %reduce_sum3A_498[0, 0, 0] : f32 from vector<1x1x1xf32>
    %eq3A_500 = arith.constant 8 : i32
    %eq3A_501 = vector.broadcast %eq3A_500 : i32 to vector<1x128xi32>
    %eq3A_502 = arith.cmpi eq, %iota3A, %eq3A_501 : vector<1x128xi32>
    %jit3A_503 = arith.constant 0.000000e+00 : f32
    %broadcast_in_dim3A_504 = vector.broadcast %reduce_sum3A_499 : f32 to vector<1x128xf32>
    %broadcast_in_dim3A_505 = vector.broadcast %jit3A_503 : f32 to vector<1x128xf32>
    %select_n3A_506 = arith.select %eq3A_502, %broadcast_in_dim3A_504, %broadcast_in_dim3A_505 : vector<1x128xi1>, vector<1x128xf32>
    %add3A_507 = arith.addf %add3A_488, %select_n3A_506 : vector<1x128xf32>
    %eq3A_508 = arith.constant 9 : i32
    %eq3A_509 = vector.broadcast %eq3A_508 : i32 to vector<80x128xi32>
    %eq3A_510 = arith.cmpi eq, %get3A_135, %eq3A_509 : vector<80x128xi32>
    %jit3A_511 = arith.constant 0.000000e+00 : f32
    %broadcast_in_dim3A_512 = vector.broadcast %jit3A_511 : f32 to vector<80x128xf32>
    %select_n3A_513 = arith.select %eq3A_510, %add3A_333, %broadcast_in_dim3A_512 : vector<80x128xi1>, vector<80x128xf32>
    %reduce_sum3A_514 = vector.shape_cast %select_n3A_513 : vector<80x128xf32> to vector<1x80x128xf32>
    %reduce_sum3A_515 = arith.constant dense<0.000000e+00> : vector<1xf32>
    %reduce_sum3A_516 = vector.multi_reduction <add>, %reduce_sum3A_514, %reduce_sum3A_515 [1, 2] : vector<1x80x128xf32> to vector<1xf32>
    %reduce_sum3A_517 = vector.shape_cast %reduce_sum3A_516 : vector<1xf32> to vector<1x1x1xf32>
    %reduce_sum3A_518 = vector.extract %reduce_sum3A_517[0, 0, 0] : f32 from vector<1x1x1xf32>
    %eq3A_519 = arith.constant 9 : i32
    %eq3A_520 = vector.broadcast %eq3A_519 : i32 to vector<1x128xi32>
    %eq3A_521 = arith.cmpi eq, %iota3A, %eq3A_520 : vector<1x128xi32>
    %jit3A_522 = arith.constant 0.000000e+00 : f32
    %broadcast_in_dim3A_523 = vector.broadcast %reduce_sum3A_518 : f32 to vector<1x128xf32>
    %broadcast_in_dim3A_524 = vector.broadcast %jit3A_522 : f32 to vector<1x128xf32>
    %select_n3A_525 = arith.select %eq3A_521, %broadcast_in_dim3A_523, %broadcast_in_dim3A_524 : vector<1x128xi1>, vector<1x128xf32>
    %add3A_526 = arith.addf %add3A_507, %select_n3A_525 : vector<1x128xf32>
    %eq3A_527 = arith.constant 10 : i32
    %eq3A_528 = vector.broadcast %eq3A_527 : i32 to vector<80x128xi32>
    %eq3A_529 = arith.cmpi eq, %get3A_135, %eq3A_528 : vector<80x128xi32>
    %jit3A_530 = arith.constant 0.000000e+00 : f32
    %broadcast_in_dim3A_531 = vector.broadcast %jit3A_530 : f32 to vector<80x128xf32>
    %select_n3A_532 = arith.select %eq3A_529, %add3A_333, %broadcast_in_dim3A_531 : vector<80x128xi1>, vector<80x128xf32>
    %reduce_sum3A_533 = vector.shape_cast %select_n3A_532 : vector<80x128xf32> to vector<1x80x128xf32>
    %reduce_sum3A_534 = arith.constant dense<0.000000e+00> : vector<1xf32>
    %reduce_sum3A_535 = vector.multi_reduction <add>, %reduce_sum3A_533, %reduce_sum3A_534 [1, 2] : vector<1x80x128xf32> to vector<1xf32>
    %reduce_sum3A_536 = vector.shape_cast %reduce_sum3A_535 : vector<1xf32> to vector<1x1x1xf32>
    %reduce_sum3A_537 = vector.extract %reduce_sum3A_536[0, 0, 0] : f32 from vector<1x1x1xf32>
    %eq3A_538 = arith.constant 10 : i32
    %eq3A_539 = vector.broadcast %eq3A_538 : i32 to vector<1x128xi32>
    %eq3A_540 = arith.cmpi eq, %iota3A, %eq3A_539 : vector<1x128xi32>
    %jit3A_541 = arith.constant 0.000000e+00 : f32
    %broadcast_in_dim3A_542 = vector.broadcast %reduce_sum3A_537 : f32 to vector<1x128xf32>
    %broadcast_in_dim3A_543 = vector.broadcast %jit3A_541 : f32 to vector<1x128xf32>
    %select_n3A_544 = arith.select %eq3A_540, %broadcast_in_dim3A_542, %broadcast_in_dim3A_543 : vector<1x128xi1>, vector<1x128xf32>
    %add3A_545 = arith.addf %add3A_526, %select_n3A_544 : vector<1x128xf32>
    %eq3A_546 = arith.constant 11 : i32
    %eq3A_547 = vector.broadcast %eq3A_546 : i32 to vector<80x128xi32>
    %eq3A_548 = arith.cmpi eq, %get3A_135, %eq3A_547 : vector<80x128xi32>
    %jit3A_549 = arith.constant 0.000000e+00 : f32
    %broadcast_in_dim3A_550 = vector.broadcast %jit3A_549 : f32 to vector<80x128xf32>
    %select_n3A_551 = arith.select %eq3A_548, %add3A_333, %broadcast_in_dim3A_550 : vector<80x128xi1>, vector<80x128xf32>
    %reduce_sum3A_552 = vector.shape_cast %select_n3A_551 : vector<80x128xf32> to vector<1x80x128xf32>
    %reduce_sum3A_553 = arith.constant dense<0.000000e+00> : vector<1xf32>
    %reduce_sum3A_554 = vector.multi_reduction <add>, %reduce_sum3A_552, %reduce_sum3A_553 [1, 2] : vector<1x80x128xf32> to vector<1xf32>
    %reduce_sum3A_555 = vector.shape_cast %reduce_sum3A_554 : vector<1xf32> to vector<1x1x1xf32>
    %reduce_sum3A_556 = vector.extract %reduce_sum3A_555[0, 0, 0] : f32 from vector<1x1x1xf32>
    %eq3A_557 = arith.constant 11 : i32
    %eq3A_558 = vector.broadcast %eq3A_557 : i32 to vector<1x128xi32>
    %eq3A_559 = arith.cmpi eq, %iota3A, %eq3A_558 : vector<1x128xi32>
    %jit3A_560 = arith.constant 0.000000e+00 : f32
    %broadcast_in_dim3A_561 = vector.broadcast %reduce_sum3A_556 : f32 to vector<1x128xf32>
    %broadcast_in_dim3A_562 = vector.broadcast %jit3A_560 : f32 to vector<1x128xf32>
    %select_n3A_563 = arith.select %eq3A_559, %broadcast_in_dim3A_561, %broadcast_in_dim3A_562 : vector<1x128xi1>, vector<1x128xf32>
    %add3A_564 = arith.addf %add3A_545, %select_n3A_563 : vector<1x128xf32>
    %eq3A_565 = arith.constant 12 : i32
    %eq3A_566 = vector.broadcast %eq3A_565 : i32 to vector<80x128xi32>
    %eq3A_567 = arith.cmpi eq, %get3A_135, %eq3A_566 : vector<80x128xi32>
    %jit3A_568 = arith.constant 0.000000e+00 : f32
    %broadcast_in_dim3A_569 = vector.broadcast %jit3A_568 : f32 to vector<80x128xf32>
    %select_n3A_570 = arith.select %eq3A_567, %add3A_333, %broadcast_in_dim3A_569 : vector<80x128xi1>, vector<80x128xf32>
    %reduce_sum3A_571 = vector.shape_cast %select_n3A_570 : vector<80x128xf32> to vector<1x80x128xf32>
    %reduce_sum3A_572 = arith.constant dense<0.000000e+00> : vector<1xf32>
    %reduce_sum3A_573 = vector.multi_reduction <add>, %reduce_sum3A_571, %reduce_sum3A_572 [1, 2] : vector<1x80x128xf32> to vector<1xf32>
    %reduce_sum3A_574 = vector.shape_cast %reduce_sum3A_573 : vector<1xf32> to vector<1x1x1xf32>
    %reduce_sum3A_575 = vector.extract %reduce_sum3A_574[0, 0, 0] : f32 from vector<1x1x1xf32>
    %eq3A_576 = arith.constant 12 : i32
    %eq3A_577 = vector.broadcast %eq3A_576 : i32 to vector<1x128xi32>
    %eq3A_578 = arith.cmpi eq, %iota3A, %eq3A_577 : vector<1x128xi32>
    %jit3A_579 = arith.constant 0.000000e+00 : f32
    %broadcast_in_dim3A_580 = vector.broadcast %reduce_sum3A_575 : f32 to vector<1x128xf32>
    %broadcast_in_dim3A_581 = vector.broadcast %jit3A_579 : f32 to vector<1x128xf32>
    %select_n3A_582 = arith.select %eq3A_578, %broadcast_in_dim3A_580, %broadcast_in_dim3A_581 : vector<1x128xi1>, vector<1x128xf32>
    %add3A_583 = arith.addf %add3A_564, %select_n3A_582 : vector<1x128xf32>
    %eq3A_584 = arith.constant 13 : i32
    %eq3A_585 = vector.broadcast %eq3A_584 : i32 to vector<80x128xi32>
    %eq3A_586 = arith.cmpi eq, %get3A_135, %eq3A_585 : vector<80x128xi32>
    %jit3A_587 = arith.constant 0.000000e+00 : f32
    %broadcast_in_dim3A_588 = vector.broadcast %jit3A_587 : f32 to vector<80x128xf32>
    %select_n3A_589 = arith.select %eq3A_586, %add3A_333, %broadcast_in_dim3A_588 : vector<80x128xi1>, vector<80x128xf32>
    %reduce_sum3A_590 = vector.shape_cast %select_n3A_589 : vector<80x128xf32> to vector<1x80x128xf32>
    %reduce_sum3A_591 = arith.constant dense<0.000000e+00> : vector<1xf32>
    %reduce_sum3A_592 = vector.multi_reduction <add>, %reduce_sum3A_590, %reduce_sum3A_591 [1, 2] : vector<1x80x128xf32> to vector<1xf32>
    %reduce_sum3A_593 = vector.shape_cast %reduce_sum3A_592 : vector<1xf32> to vector<1x1x1xf32>
    %reduce_sum3A_594 = vector.extract %reduce_sum3A_593[0, 0, 0] : f32 from vector<1x1x1xf32>
    %eq3A_595 = arith.constant 13 : i32
    %eq3A_596 = vector.broadcast %eq3A_595 : i32 to vector<1x128xi32>
    %eq3A_597 = arith.cmpi eq, %iota3A, %eq3A_596 : vector<1x128xi32>
    %jit3A_598 = arith.constant 0.000000e+00 : f32
    %broadcast_in_dim3A_599 = vector.broadcast %reduce_sum3A_594 : f32 to vector<1x128xf32>
    %broadcast_in_dim3A_600 = vector.broadcast %jit3A_598 : f32 to vector<1x128xf32>
    %select_n3A_601 = arith.select %eq3A_597, %broadcast_in_dim3A_599, %broadcast_in_dim3A_600 : vector<1x128xi1>, vector<1x128xf32>
    %add3A_602 = arith.addf %add3A_583, %select_n3A_601 : vector<1x128xf32>
    %eq3A_603 = arith.constant 14 : i32
    %eq3A_604 = vector.broadcast %eq3A_603 : i32 to vector<80x128xi32>
    %eq3A_605 = arith.cmpi eq, %get3A_135, %eq3A_604 : vector<80x128xi32>
    %jit3A_606 = arith.constant 0.000000e+00 : f32
    %broadcast_in_dim3A_607 = vector.broadcast %jit3A_606 : f32 to vector<80x128xf32>
    %select_n3A_608 = arith.select %eq3A_605, %add3A_333, %broadcast_in_dim3A_607 : vector<80x128xi1>, vector<80x128xf32>
    %reduce_sum3A_609 = vector.shape_cast %select_n3A_608 : vector<80x128xf32> to vector<1x80x128xf32>
    %reduce_sum3A_610 = arith.constant dense<0.000000e+00> : vector<1xf32>
    %reduce_sum3A_611 = vector.multi_reduction <add>, %reduce_sum3A_609, %reduce_sum3A_610 [1, 2] : vector<1x80x128xf32> to vector<1xf32>
    %reduce_sum3A_612 = vector.shape_cast %reduce_sum3A_611 : vector<1xf32> to vector<1x1x1xf32>
    %reduce_sum3A_613 = vector.extract %reduce_sum3A_612[0, 0, 0] : f32 from vector<1x1x1xf32>
    %eq3A_614 = arith.constant 14 : i32
    %eq3A_615 = vector.broadcast %eq3A_614 : i32 to vector<1x128xi32>
    %eq3A_616 = arith.cmpi eq, %iota3A, %eq3A_615 : vector<1x128xi32>
    %jit3A_617 = arith.constant 0.000000e+00 : f32
    %broadcast_in_dim3A_618 = vector.broadcast %reduce_sum3A_613 : f32 to vector<1x128xf32>
    %broadcast_in_dim3A_619 = vector.broadcast %jit3A_617 : f32 to vector<1x128xf32>
    %select_n3A_620 = arith.select %eq3A_616, %broadcast_in_dim3A_618, %broadcast_in_dim3A_619 : vector<1x128xi1>, vector<1x128xf32>
    %add3A_621 = arith.addf %add3A_602, %select_n3A_620 : vector<1x128xf32>
    %eq3A_622 = arith.constant 15 : i32
    %eq3A_623 = vector.broadcast %eq3A_622 : i32 to vector<80x128xi32>
    %eq3A_624 = arith.cmpi eq, %get3A_135, %eq3A_623 : vector<80x128xi32>
    %jit3A_625 = arith.constant 0.000000e+00 : f32
    %broadcast_in_dim3A_626 = vector.broadcast %jit3A_625 : f32 to vector<80x128xf32>
    %select_n3A_627 = arith.select %eq3A_624, %add3A_333, %broadcast_in_dim3A_626 : vector<80x128xi1>, vector<80x128xf32>
    %reduce_sum3A_628 = vector.shape_cast %select_n3A_627 : vector<80x128xf32> to vector<1x80x128xf32>
    %reduce_sum3A_629 = arith.constant dense<0.000000e+00> : vector<1xf32>
    %reduce_sum3A_630 = vector.multi_reduction <add>, %reduce_sum3A_628, %reduce_sum3A_629 [1, 2] : vector<1x80x128xf32> to vector<1xf32>
    %reduce_sum3A_631 = vector.shape_cast %reduce_sum3A_630 : vector<1xf32> to vector<1x1x1xf32>
    %reduce_sum3A_632 = vector.extract %reduce_sum3A_631[0, 0, 0] : f32 from vector<1x1x1xf32>
    %eq3A_633 = arith.constant 15 : i32
    %eq3A_634 = vector.broadcast %eq3A_633 : i32 to vector<1x128xi32>
    %eq3A_635 = arith.cmpi eq, %iota3A, %eq3A_634 : vector<1x128xi32>
    %jit3A_636 = arith.constant 0.000000e+00 : f32
    %broadcast_in_dim3A_637 = vector.broadcast %reduce_sum3A_632 : f32 to vector<1x128xf32>
    %broadcast_in_dim3A_638 = vector.broadcast %jit3A_636 : f32 to vector<1x128xf32>
    %select_n3A_639 = arith.select %eq3A_635, %broadcast_in_dim3A_637, %broadcast_in_dim3A_638 : vector<1x128xi1>, vector<1x128xf32>
    %add3A_640 = arith.addf %add3A_621, %select_n3A_639 : vector<1x128xf32>
    %get3A_641 = arith.constant 0 : index
    %get3A_642 = arith.constant 0 : index
    %get3A_643 = vector.load %arg4[%get3A_641, %get3A_642] : memref<32x128xf32, #tpu.memory_space<vmem>>, vector<32x128xf32>
    %reduce_sum3A_644 = arith.constant dense<0.000000e+00> : vector<128xf32>
    %reduce_sum3A_645 = vector.multi_reduction <add>, %get3A_643, %reduce_sum3A_644 [0] : vector<32x128xf32> to vector<128xf32>
    %broadcast_in_dim3A_646 = vector.shape_cast %reduce_sum3A_645 : vector<128xf32> to vector<1x128xf32>
    %get3A_647 = arith.constant 2 : index
    %get3A_648 = arith.constant 0 : index
    %get3A_649 = vector.load %arg3[%get3A_647, %get3A_648] : memref<8x16xf32, #tpu.memory_space<vmem>>, vector<1x16xf32>
    %slice3A = vector.extract_strided_slice %add3A_640 {offsets = [0, 0], sizes = [1, 16], strides = [1, 1]} : vector<1x128xf32> to vector<1x16xf32>
    %mul3A_650 = vector.broadcast %get3A_2 : f32 to vector<1x16xf32>
    %mul3A_651 = arith.mulf %mul3A_650, %slice3A : vector<1x16xf32>
    %add3A_652 = arith.addf %get3A_649, %mul3A_651 : vector<1x16xf32>
    %slice3A_653 = vector.extract_strided_slice %broadcast_in_dim3A_646 {offsets = [0, 0], sizes = [1, 16], strides = [1, 1]} : vector<1x128xf32> to vector<1x16xf32>
    %mul3A_654 = vector.broadcast %get3A_4 : f32 to vector<1x16xf32>
    %mul3A_655 = arith.mulf %mul3A_654, %slice3A_653 : vector<1x16xf32>
    %add3A_656 = arith.addf %add3A_652, %mul3A_655 : vector<1x16xf32>
    %broadcast_in_dim3A_657 = vector.shape_cast %add3A_656 : vector<1x16xf32> to vector<1x16xf32>
    %broadcast_in_dim3A_658 = vector.broadcast %broadcast_in_dim3A_657 : vector<1x16xf32> to vector<8x16xf32>
    %swap3A_659 = arith.constant 0 : index
    %swap3A_660 = arith.constant 0 : index
    %swap3A_661 = vector.load %arg7[%swap3A_659, %swap3A_660] : memref<8x16xf32, #tpu.memory_space<vmem>>, vector<8x16xf32>
    tpu.vector_store %arg7[%swap3A_659, %swap3A_660], %broadcast_in_dim3A_658 {strides = array<i32>} : memref<8x16xf32, #tpu.memory_space<vmem>>, vector<8x16xf32>,
    return
  }
}

</mosaic_0001>

<sc_bundles>
// kernel: kernel.5.cloned.1.call-start
scs
__scs_entry_jumppad:
0x0: {  	(pc) =	sbr.rel $0x88, $3  }
0x1: {  	(tag) =	ssettag $0x0;
	lr =	simm.s32 $0x1  }
0x2: {  	[smem:$0x3F95] =	sst lr;
	_ =	strace $0xD0000000  }
0x3: {  	_ = 	snop  }
0x4: {  	_ = 	snop  }
0x5: {  	_ = 	snop  }
0x6: {  	_ = 	snop  }
0x7: {  	_ = 	snop  }
__scs_overlays_trampoline_lowered:
0x8: {  	[smem:$0x3FA4] =	sst s0  }
0x9: {  	[smem:$0x3FA5] =	sst s1  }
0xa: {  	[smem:$0x3FA6] =	sst s2  }
0xb: {  	[smem:$0x3FA7] =	sst s3  }
0xc: {  	[smem:$0x3FA8] =	sst s4  }
0xd: {  	[smem:$0x3FA9] =	sst s5  }
0xe: {  	[smem:$0x3FAA] =	sst s6  }
0xf: {  	[smem:$0x3FAB] =	sst s7  }
0x10: {  	[smem:$0x3FAC] =	sst s8  }
0x11: {  	[smem:$0x3FAD] =	sst s9;
	s0 =	simm.s32 @!p0 $0x0  }
0x12: {  	s1 =	sld [smem:$0x3F93];
	s0 =	simm.s32 @p0 $0x1  }
0x13: {  	[smem:$0x3FAE] =	sst s0;
	s0 =	simm.s32 @!p1 $0x0  }
0x14: {  	s2 =	sld [smem:$0x3F92];
	s0 =	simm.s32 @p1 $0x1  }
0x15: {  	[smem:$0x3FAF] =	sst s0;
	s0 =	simm.s32 @!p2 $0x0  }
0x16: {  	s3 =	sld [smem:$0x3FDB];
	s0 =	simm.s32 @p2 $0x1  }
0x17: {  	s4 =	simm.s32 $0x1BF5;
	[smem:$0x3FB1] =	sst s0  }
0x18: {  	s0 =	sld [smem:$0x3F94];
	_ =	swait.ge [sflag:s4], $0x0  }
0x19: {  	s7 =	sld [smem:$0x3F95]  }
0x1a: {  	s8 =	sadd.s32 $0xFFFFE003, lr  }
0x1b: {  	s9 =	sadd.s32 $0xFFFFFEF7, lr;
	s5 =	simm.s32 $0xFFFFFFFF;
	p2 =	slt.u32 s8, $0xFFFFF086  }
0x1c: {  	p1 =	slt.u32 s9, $0xF7A;
	s5 =	simm.s32 @!p2 $0x0  }
0x1d: {  	s5 =	simm.s32 @p1 $0x1;
	p0 =	seq.s32 s7, s2  }
0x1e: {  	s7 =	smul.u32 @!p0 $0xF7A, s2;
	p2 =	seq.s32 @!p0 s5, $0x0  }
0x1f: {  	s9 =	smul.u32 $0xF7A, s1;
	s8 =	simm.s32 @!p0 $0x1BF5;
	p2 =	por !p2, p0  }
0x20: {  	[sflag:s8] =	ssyncset.s32 @!p0 $0xFFFFF086;
	s6 =	sadd.s32 @!p0 s3, s7;
	s7 =	simm.s32 @!p0 $0x108  }
0x21: {  	s3 =	sadd.s32 s3, s9;
	s6 =	sadd.s32 @!p0 $0x88, s6;
	s7 =	simm.s32 @p2 $0x1082  }
0x22: {  	[simem:s7], [sflag:s8] =	dma.local @!p0 [hbm:s6], $0xF7A  }
0x23: {  	s9 =	sor.u32 $0xD0000000, s2;
	s6 =	simm.s32 $0x108;
	_ =	swait.ge @!p0 [sflag:s8], $0x0  }
0x24: {  	s3 =	sadd.s32 $0x88, s3;
	s6 =	simm.s32 @!p1 $0x1082;
	[sflag:s4] =	ssyncset.s32 $0xFFFFF086  }
0x25: {  	[simem:s6], [sflag:s4] =	dma.local [hbm:s3], $0xF7A  }
0x26: {  	[smem:$0x3F95] =	sst s1;
	(tag) =	ssettag s2;
	_ =	strace s9  }
0x27: {  	s1 =	sld [smem:$0x3FA5]  }
0x28: {  	s2 =	sld [smem:$0x3FA6]  }
0x29: {  	s4 =	sld [smem:$0x3FA8]  }
0x2a: {  	p0 =	seq.s32 s5, $0x0;
	s5 =	sld [smem:$0x3FA9]  }
0x2b: {  	s6 =	sld [smem:$0x3FAA]  }
0x2c: {  	s7 =	sld [smem:$0x3FAB]  }
0x2d: {  	s3 =	simm.s32 $0x108;
	s8 =	sld [smem:$0x3FAC]  }
0x2e: {  	s3 =	simm.s32 @!p0 $0x1082;
	s9 =	sld [smem:$0x3FAD]  }
0x2f: {  	lr =	sadd.s32 s0, s3;
	s0 =	sld [smem:$0x3FA4]  }
0x30: {  	s3 =	sld [smem:$0x3FA7]  }
0x31: {  	[smem:$0x3FB0] =	sst s10  }
0x32: {  	s10 =	sld [smem:$0x3FAE];
	_ =	sdelay $0x3  }
0x33: {  	p0 =	seq.s32 s10, $0x1;
	s10 =	sld [smem:$0x3FB0];
	_ =	sdelay $0x3  }
0x34: {  	[smem:$0x3FB0] =	sst s10  }
0x35: {  	s10 =	sld [smem:$0x3FAF];
	_ =	sdelay $0x3  }
0x36: {  	p1 =	seq.s32 s10, $0x1;
	s10 =	sld [smem:$0x3FB0];
	_ =	sdelay $0x3  }
0x37: {  	[smem:$0x3FB0] =	sst s10  }
0x38: {  	s10 =	sld [smem:$0x3FB1]  }
0x39: {  	_ = 	snop;
	(pc) =	sbr.ind lr, $3  }
0x3a: {  	_ = 	snop  }
0x3b: {  	_ = 	snop  }
0x3c: {  	p2 =	seq.s32 s10, $0x1;
	s10 =	sld [smem:$0x3FB0]  }
0x3d: {  	_ =	shalt  }
0x3e: {  	_ =	shalt  }
0x3f: {  	_ =	shalt  }
0x40: {  	_ =	shalt  }
0x41: {  	_ =	shalt  }
0x42: {  	_ =	shalt  }
0x43: {  	_ =	shalt  }
0x44: {  	_ =	shalt  }
0x45: {  	_ =	shalt  }
0x46: {  	_ =	shalt  }
0x47: {  	_ =	shalt  }
0x48: {  	_ =	shalt  }
0x49: {  	_ =	shalt  }
0x4a: {  	_ =	shalt  }
0x4b: {  	_ =	shalt  }
0x4c: {  	_ =	shalt  }
0x4d: {  	_ =	shalt  }
0x4e: {  	_ =	shalt  }
0x4f: {  	_ =	shalt  }
0x50: {  	_ =	shalt  }
0x51: {  	_ =	shalt  }
0x52: {  	_ =	shalt  }
0x53: {  	_ =	shalt  }
0x54: {  	_ =	shalt  }
0x55: {  	_ =	shalt  }
0x56: {  	_ =	shalt  }
0x57: {  	_ =	shalt  }
0x58: {  	_ =	shalt  }
0x59: {  	_ =	shalt  }
0x5a: {  	_ =	shalt  }
0x5b: {  	_ =	shalt  }
0x5c: {  	_ =	shalt  }
0x5d: {  	_ =	shalt  }
0x5e: {  	_ =	shalt  }
0x5f: {  	_ =	shalt  }
0x60: {  	_ =	shalt  }
0x61: {  	_ =	shalt  }
0x62: {  	_ =	shalt  }
0x63: {  	_ =	shalt  }
0x64: {  	_ =	shalt  }
0x65: {  	_ =	shalt  }
0x66: {  	_ =	shalt  }
0x67: {  	_ =	shalt  }
0x68: {  	_ =	shalt  }
0x69: {  	_ =	shalt  }
0x6a: {  	_ =	shalt  }
0x6b: {  	_ =	shalt  }
0x6c: {  	_ =	shalt  }
0x6d: {  	_ =	shalt  }
0x6e: {  	_ =	shalt  }
0x6f: {  	_ =	shalt  }
0x70: {  	_ =	shalt  }
0x71: {  	_ =	shalt  }
0x72: {  	_ =	shalt  }
0x73: {  	_ =	shalt  }
0x74: {  	_ =	shalt  }
0x75: {  	_ =	shalt  }
0x76: {  	_ =	shalt  }
0x77: {  	_ =	shalt  }
0x78: {  	_ =	shalt  }
0x79: {  	_ =	shalt  }
0x7a: {  	_ =	shalt  }
0x7b: {  	_ =	shalt  }
0x7c: {  	_ =	shalt  }
0x7d: {  	_ =	shalt  }
0x7e: {  	_ =	shalt  }
0x7f: {  	_ =	shalt  }
0x80: {  	_ =	shalt  }
0x81: {  	_ =	shalt  }
0x82: {  	_ =	shalt  }
0x83: {  	_ =	shalt  }
0x84: {  	_ =	shalt  }
0x85: {  	_ =	shalt  }
0x86: {  	_ =	shalt  }
0x87: {  	_ =	shalt  }
.Lfunc_end0:
.L_simem_size_0:
called_computation_lowered:
.L_overlay_start_0:
0x88: {  	s2 =	sld [smem:$0x3FD9]  }
0x89: {  	s3 =	sld [smem:$0x3FFE];
	_ =	sdelay $0x1  }
0x8a: {  	s1 =	srdreg.scid  }
0x8b: {  	s0 =	sand.u32 $0x1, s1  }
0x8c: {  	s14 =	sshll.u32 s0, $0xA;
	s2 =	sadd.s32 s3, s2  }
0x8d: {  	s2 =	sadd.s32 s2, s14  }
0x8e: {  	[smem:$0x3FBC] =	sst s2  }
0x8f: {  	_ = 	snop  }
0x90: {  	s2 =	sld [smem:$0x3FD0];
	_ =	sdelay $0x2  }
0x91: {  	s4 =	simm.s32 $0xA;
	s5 =	simm.s32 $0x10;
	s15 =	sld [smem:$0x3FC4]  }
0x92: {  	[smem:s5], [sflag:s4] =	dma.local [hbm:s2], $0x1  }
0x93: {  	_ =	swait.eq [sflag:s4], $0x1  }
0x94: {  	s16 =	sld [smem:$0x10];
	[sflag:s4] =	ssyncset.done $0x0  }
0x95: {  	s17 =	sld [smem:$0x11];
	[sflag:s4] =	ssyncadd.s32 $0xFFFFFFFF  }
0x96: {  	s18 =	sld [smem:$0x12];
	(tm) =	ssettm $0x1  }
0x97: {  	s6 =	sld [smem:$0x3FFB];
	_ =	sdelay $0x3  }
0x98: {  	_ =	strace s6  }
0x99: {  	s6 =	sld [smem:$0x3FFC];
	_ =	sdelay $0x3  }
0x9a: {  	_ =	strace s6  }
0x9b: {  	s6 =	sld [smem:$0x3FFD];
	_ =	sdelay $0x3  }
0x9c: {  	_ =	strace s6  }
0x9d: {  	_ =	strace $0x8FFFFFFF  }
0x9e: {  	s19 =	sld [smem:$0x3FDB];
	_ =	sdelay $0x1  }
0x9f: {  	s7 =	simm.s32 $_scs_section_size  }
0xa0: {  	s8 =	simm.s32 $_size__tile_overlayer_lowered;
	s9 =	simm.s32 $_tile_overlayer_lowered  }
0xa1: {  	s22 =	simm.s32 $0x1BFF;
	s21 =	sshll.u32 s9, $0x1;
	s6 =	sadd.s32 s7, s19  }
0xa2: {  	s10 =	simm.s32 $0x0;
	s20 =	sshll.u32 s8, $0x1;
	s8 =	sadd.s32 s21, s6  }
0xa3: {  	[timem:s10], [sflag:s22] =	dma.local [hbm:s8], s20  }
0xa4: {  	_ =	swait.ge [sflag:s22], s20  }
0xa5: {  	s7 =	ssub.s32 $0x0, s20;
	[sflag:s22] =	ssyncset.done $0x0  }
0xa6: {  	[sflag:s22] =	ssyncadd.s32 s7;
	_ =	sdelay $0x1  }
0xa7: {  	s23 =	simm.s32 $0x1B8B  }
0xa8: {  	_ =	swait.ge [sflag:s23], $0x1  }
0xa9: {  	[sflag:s23] =	ssyncset.done $0x0  }
0xaa: {  	s25 =	simm.s32 $0x1B8E;
	s24 =	sld [smem:$0x3FFE];
	[sflag:s23] =	ssyncadd.s32 $0xFFFFFFFF  }
0xab: {  	s26 =	simm.s32 $execute0_lowered;
	[smem:$0x3FD2] =	sst s25  }
0xac: {  	s8 =	sshll.u32 s26, $0x1;
	_ =	strace $0x80000046;
	[dreg:$0x1] =	wrdreg $0xFFFFFFFF  }
0xad: {  	s28 =	simm.s32 $_size_execute0_lowered;
	s6 =	sadd.s32 s6, s8;
	[dreg:$0x0] =	wrdreg $0x0  }
0xae: {  	s8 =	sshll.u32 s28, $0x1;
	[dreg:$0x2] =	wrdreg s6  }
0xaf: {  	[dreg:$0x3] =	wrdreg s8  }
0xb0: {  	[dreg:$0x4] =	wrdreg $0xC0  }
0xb1: {  	_ =	task [dreg:s10], $0x5FFFF  }
0xb2: {  	[dreg:$0x1] =	wrdreg $0xFFFFFFFF  }
0xb3: {  	[dreg:$0x0] =	wrdreg $0x60  }
0xb4: {  	[dreg:$0x2] =	wrdreg s24  }
0xb5: {  	[dreg:$0x3] =	wrdreg s16  }
0xb6: {  	[dreg:$0x4] =	wrdreg s18  }
0xb7: {  	[dreg:$0x5] =	wrdreg s15  }
0xb8: {  	[dreg:$0x6] =	wrdreg s17  }
0xb9: {  	[dreg:$0x7] =	wrdreg $0x9  }
0xba: {  	_ =	task.clear_ibuf [dreg:s10], $0x8FFFF;
	_ =	strace $0x90000046  }
0xbb: {  	s29 =	simm.s32 $0x9;
	_ =	strace $0x80000048  }
0xbc: {  	_ =	swait.ge [sflag:s29], $0x1  }
0xbd: {  	[sflag:s29] =	ssyncadd.s32 $0xFFFFFFFF  }
0xbe: {  	_ =	strace $0x90000048  }
0xbf: {  	_ =	sfence  }
0xc0: {  	s30 =	sld [smem:$0x0];
	_ =	sdelay $0x2  }
0xc1: {  	s31 =	sshll.u32 s1, $0xD;
	s1 =	sshrl.u32 s1, $0x2  }
0xc2: {  	s3 =	sand.u32 $0x4000, s31;
	s1 =	sadd.s32 s1, s30  }
0xc3: {  	s0 =	sor.u32 s3, s0;
	s1 =	sshll.u32 s1, $0x11  }
0xc4: {  	s0 =	sor.u32 s1, s0  }
0xc5: {  	s0 =	sadd.s32 $0x8F2B, s0  }
0xc6: {  	[sflag:s0] =	ssyncadd.remote.s32 $0x1  }
0xc7: {  	_ =	sfence.sel $0xFFFF  }
0xc8: {  	[dreg:$0x0] =	wrdreg $0xFFFFFFFF;
	(pc) =	sbr.abs _section_cstart, $3  }
0xc9: {  	[dreg:$0x1] =	wrdreg $0xFFFFFFFF  }
0xca: {  	_ =	task.clear_ibuf [dreg:s10], $0x2FFFF;
	_ =	strace $0x9FFFFFFF  }
0xcb: {  	(tm) =	ssettm $0x7FFFFFFF  }
tec
execute0_lowered:
.L_overlay_start_1:
0x0: {  	(tag) =	ssettag $0x1  }
0x1: {  	s0 =	rddreg [dreg:$0x0]  }
0x2: {  	s1 =	rddreg [dreg:$0x3]  }
0x3: {  	s2 =	rddreg [dreg:$0x4];
	s4 =	simm.s32 $0x0;
	s3 =	srdreg.scid  }
0x4: {  	s12 =	stileid.u32;
	s21 =	simm.s32 $0x1;
	s28 =	simm.s32 $0x7900  }
0x5: {  	s29 =	simm.s32 $0x0;
	[smem:$0x7FF] =	sst s4;
	s5 =	sadd.s32 $0x1A00, s0  }
0x6: {  	s3 =	sand.u32 $0x1, s3;
	s22 =	sshll.u32 s12, $0x1;
	s6 =	sadd.s32 $0x2000, s0  }
0x7: {  	s23 =	sadd.s32 $0x273200, s0;
	s7 =	sadd.s32 $0x7200, s0;
	s8 =	sadd.s32 $0x2200, s0  }
0x8: {  	_ =	strace $0x80000047;
	[dreg:$0x6] =	wrdreg s5;
	s5 =	sor.u32 s3, s22  }
0x9: {  	s10 =	sadd.s32 $0xC200, s0;
	s17 =	sadd.s32 $0xC800, s0;
	s9 =	smul.u32 $0x500, s5  }
0xa: {  	p0 =	sgt.u32 s12, $0x1;
	[dreg:$0x7] =	wrdreg s6;
	s24 =	smul.u32 $0x138, s5  }
0xb: {  	[dreg:$0x8] =	wrdreg s10;
	s3 =	ssub.s32 $0x2, s3;
	s18 =	smul.u32 $0x13C, s5  }
0xc: {  	s11 =	sshrl.u32 s3, $0x1;
	s16 =	smul.u32 $0x278, s5;
	s5 =	sshll.u32 s5, $0x4  }
0xd: {  	s22 =	simm.s32 $0x2800;
	s3 =	ssub.s32 s3, s11;
	s19 =	sadd.s32 s2, s5  }
0xe: {  	v0 =	vlaneseq.u32;
	s10 =	sadd.s32 $0x10, s24;
	s0 =	sadd.s32 s9, s0;
	s25 =	sadd.s32 s7, s16  }
0xf: {  	v0 =	vmul.u32 $0x10, v0;
	s9 =	sadd.s32 s8, s16;
	s20 =	smax.u32 s3, $0x1;
	s18 =	smov.u32 @p0 s10  }
0x10: {  	v1 =	vimm.f32 $0.0e+00;
	[dreg:$0x9] =	wrdreg s25;
	s13 =	sshll.u32 s10, $0x1;
	s10 =	sadd.s32 s1, s16  }
0x11: {  	v2 =	vor.u32 $0x1, v0;
	v3 =	vor.u32 $0x2, v0;
	v4 =	vor.u32 $0x3, v0;
	s16 =	sadd.s32 s17, s16;
	s25 =	simm.s32 $0x5000;
	s11 =	sadd.s32 s7, s13  }
0x12: {  	v5 =	vor.u32 $0x4, v0;
	v6 =	vor.u32 $0x5, v0;
	v7 =	vor.u32 $0x6, v0;
	s26 =	sshll.u32 s18, $0x5;
	s12 =	sadd.s32 s8, s13;
	s13 =	sadd.s32 s1, s13  }
0x13: {  	v8 =	vor.u32 $0x7, v0;
	v9 =	vor.u32 $0x8, v0;
	v10 =	vor.u32 $0x9, v0;
	s31 =	sshll.u32 s18, $0x1;
	s18 =	sadd.s32 $0x11800, s0;
	s30 =	sadd.s32 s23, s26  }
0x14: {  	v11 =	vor.u32 $0xA, v0;
	v12 =	vor.u32 $0xB, v0;
	v13 =	vor.u32 $0xC, v0;
	s7 =	sand.u32 $0x1FFFFF80, s26;
	s17 =	sadd.s32 s17, s31;
	s26 =	simm.s32 $0xC980  }
0x15: {  	v14 =	vor.u32 $0xD, v0;
	v15 =	vor.u32 $0xE, v0;
	v16 =	vor.u32 $0xF, v0;
	s14 =	sadd.s32 s23, s7;
	s15 =	sadd.s32 $0x1380, s30;
	s23 =	simm.s32 $0x7800  }
.LBB2_1:
0x16: {  	s0 =	rddreg [dreg:$0x6]  }
0x17: {  	[tilespmem:s4], [sflag:$0x1] =	stream.linear.gather [hbm4b:s0+s4], $0x2800, $0x38;
	[tilespmem:$0x16980] =	vst v63  }
0x18: {  	_ =	swait.ge [sflag:s21], $0x2800  }
0x19: {  	[sflag:s21] =	ssyncset.done $0x0  }
0x1a: {  	[sflag:s21] =	ssyncadd.s32 $0xFFFFD800  }
0x1b: {  	s6 =	rddreg [dreg:$0x1]  }
0x1c: {  	[tilespmem:s22], [sflag:$0x1] =	stream.linear.gather [hbm4b:s6+s4], $0x2800, $0x38;
	[tilespmem:$0x16980] =	vst v63  }
0x1d: {  	_ =	swait.ge [sflag:s21], $0x2800  }
0x1e: {  	[sflag:s21] =	ssyncset.done $0x0  }
0x1f: {  	[sflag:s21] =	ssyncadd.s32 $0xFFFFD800  }
0x20: {  	s7 =	rddreg [dreg:$0x2]  }
0x21: {  	[tilespmem:s23], [sflag:$0x1] =	stream.linear.gather [hbm4b:s7+s4], $0x80, $0x38;
	[tilespmem:$0x16980] =	vst v63  }
0x22: {  	_ =	swait.ge [sflag:s21], $0x80  }
0x23: {  	[sflag:s21] =	ssyncset.done $0x0  }
0x24: {  	s1 =	simm.s32 $0x7880;
	s8 =	rddreg [dreg:$0x7];
	[sflag:s21] =	ssyncadd.s32 $0xFFFFFF80  }
0x25: {  	[tilespmem:s1], [sflag:$0x1] =	stream.linear.gather [hbm4b:s8+s4], $0x80, $0x38;
	[tilespmem:$0x16980] =	vst v63  }
0x26: {  	_ =	swait.ge [sflag:s21], $0x80  }
0x27: {  	[sflag:s21] =	ssyncset.done $0x0  }
0x28: {  	s24 =	rddreg [dreg:$0x8];
	[sflag:s21] =	ssyncadd.s32 $0xFFFFFF80  }
0x29: {  	[tilespmem:s25], [sflag:$0x1] =	stream.linear.gather [hbm4b:s24+s4], $0x2800, $0x38;
	[tilespmem:$0x16980] =	vst v63  }
0x2a: {  	_ =	swait.ge [sflag:s21], $0x2800  }
0x2b: {  	[sflag:s21] =	ssyncset.done $0x0  }
0x2c: {  	s0 =	simm.s32 @p0 $0x0;
	s1 =	simm.s32 @p0 $0x7980;
	[sflag:s21] =	ssyncadd.s32 $0xFFFFD800  }
0x2d: {  	[tilespmem:s1], [sflag:$0x1] =	stream.linear.gather @p0 [hbm4b:s11+s0], $0x1380, $0x38;
	[tilespmem:$0x16980] =	vst v63  }
0x2e: {  	s1 =	simm.s32 @p0 $0x1  }
0x2f: {  	_ =	swait.ge @p0 [sflag:s1], $0x1380  }
0x30: {  	[sflag:s1] =	ssyncset.done @p0 $0x0  }
0x31: {  	s2 =	simm.s32 @p0 $0x8D80;
	[sflag:s1] =	ssyncadd.s32 @p0 $0xFFFFEC80  }
0x32: {  	[tilespmem:s2], [sflag:$0x1] =	stream.linear.gather @p0 [hbm4b:s12+s0], $0x1380, $0x38;
	[tilespmem:$0x16980] =	vst v63  }
0x33: {  	_ =	swait.ge @p0 [sflag:s1], $0x1380  }
0x34: {  	[sflag:s1] =	ssyncset.done @p0 $0x0  }
0x35: {  	s2 =	simm.s32 @p0 $0xA180;
	[sflag:s1] =	ssyncadd.s32 @p0 $0xFFFFEC80  }
0x36: {  	[tilespmem:s2], [sflag:$0x1] =	stream.linear.gather @p0 [hbm4b:s13+s0], $0x1380, $0x38;
	[tilespmem:$0x16980] =	vst v63  }
0x37: {  	_ =	swait.ge @p0 [sflag:s1], $0x1380  }
0x38: {  	s0 =	simm.s32 @!p0 $0x0;
	[sflag:s1] =	ssyncset.done @p0 $0x0  }
0x39: {  	s2 =	rddreg [dreg:$0x9];
	[sflag:s1] =	ssyncadd.s32 @p0 $0xFFFFEC80;
	s1 =	simm.s32 @!p0 $0x7980  }
0x3a: {  	[tilespmem:s1], [sflag:$0x1] =	stream.linear.gather @!p0 [hbm4b:s2+s0], $0x13C0, $0x38;
	[tilespmem:$0x16980] =	vst v63  }
0x3b: {  	s1 =	simm.s32 @!p0 $0x1  }
0x3c: {  	_ =	swait.ge @!p0 [sflag:s1], $0x13C0  }
0x3d: {  	[sflag:s1] =	ssyncset.done @!p0 $0x0  }
0x3e: {  	s2 =	simm.s32 @!p0 $0x8D80;
	[sflag:s1] =	ssyncadd.s32 @!p0 $0xFFFFEC40  }
0x3f: {  	[tilespmem:s2], [sflag:$0x1] =	stream.linear.gather @!p0 [hbm4b:s9+s0], $0x13C0, $0x38;
	[tilespmem:$0x16980] =	vst v63  }
0x40: {  	_ =	swait.ge @!p0 [sflag:s1], $0x13C0  }
0x41: {  	[sflag:s1] =	ssyncset.done @!p0 $0x0  }
0x42: {  	s2 =	simm.s32 @!p0 $0xA180;
	[sflag:s1] =	ssyncadd.s32 @!p0 $0xFFFFEC40  }
0x43: {  	[tilespmem:s2], [sflag:$0x1] =	stream.linear.gather @!p0 [hbm4b:s10+s0], $0x13C0, $0x38;
	[tilespmem:$0x16980] =	vst v63  }
0x44: {  	_ =	swait.ge @!p0 [sflag:s1], $0x13C0  }
0x45: {  	[sflag:s1] =	ssyncset.done @!p0 $0x0  }
0x46: {  	[sflag:s1] =	ssyncadd.s32 @!p0 $0xFFFFEC40  }
0x47: {  	[tilespmem:$0x7900] =	vst v1  }
0x48: {  	[tilespmem:$0x7910] =	vst v1  }
0x49: {  	[tilespmem:$0x7920] =	vst v1  }
0x4a: {  	[tilespmem:$0x7930] =	vst v1  }
0x4b: {  	[tilespmem:$0x7940] =	vst v1  }
0x4c: {  	[tilespmem:$0x7950] =	vst v1  }
0x4d: {  	[tilespmem:$0x7960] =	vst v1  }
0x4e: {  	[tilespmem:$0x7970] =	vst v1  }
0x4f: {  	v32 =	vld [tilespmem:$0x7880];
	[tilespmem:s26], [sflag:$0x1] =	stream.linear.gather [hbm4b:s14+s4], $0x9C00, $0x38  }
0x50: {  	_ =	swait.ge [sflag:s21], $0x9C00  }
0x51: {  	[sflag:s21] =	ssyncset.done $0x0  }
0x52: {  	s0 =	simm.s32 $0x8D80;
	[sflag:s21] =	ssyncadd.s32 $0xFFFF6400  }
0x53: {  	s3 =	simm.s32 $0x7980;
	v33 =	vld [tilespmem:s0+$0x0]  }
0x54: {  	v17 =	vld [tilespmem:s3+$0x0]  }
0x55: {  	s30 =	simm.s32 $0xA180  }
0x56: {  	v34 =	vld [tilespmem:s30+$0x0];
	_ =	sdelay $0x1  }
0x57: {  	v18 =	vor.u32 s4, v0;
	_ =	sdelay $0x2  }
0x58: {  	v20 =	vor.u32 s4, v2;
	v19 =	vld.idx.msk [tilespmem:v33+s22+$0x0], $0xffff  }
0x59: {  	v21 =	vld.idx.msk [tilespmem:v17+s4+$0x0], $0xffff  }
0x5a: {  	v23 =	vor.u32 s4, v3;
	v24 =	vld.idx.msk [tilespmem:v18+s26+$0x0], $0xffff  }
0x5b: {  	v22 =	vld.idx.msk [tilespmem:v34+s23+$0x0], $0xffff  }
0x5c: {  	v25 =	vor.u32 s4, v4  }
0x5d: {  	v20 =	vld.idx.msk [tilespmem:v20+s26+$0x0], $0xffff  }
0x5e: {  	v26 =	vor.u32 s4, v5;
	v17 =	vbroadcast v32, $0x0;
	v19 =	vadd.f32 v19, v21  }
0x5f: {  	v18 =	vbroadcast v32, $0x1;
	v21 =	vld.idx.msk [tilespmem:v23+s26+$0x0], $0xffff  }
0x60: {  	v24 =	vmul.f32 v24, v17;
	v23 =	vor.u32 s4, v6;
	v22 =	vadd.f32 v22, v19  }
0x61: {  	v27 =	vor.u32 s4, v7;
	v25 =	vld.idx.msk [tilespmem:v25+s26+$0x0], $0xffff  }
0x62: {  	v19 =	vbroadcast v32, $0x2;
	v22 =	vadd.f32 v24, v22;
	v24 =	vmul.f32 v20, v18  }
0x63: {  	v28 =	vor.u32 s4, v8;
	v26 =	vld.idx.msk [tilespmem:v26+s26+$0x0], $0xffff  }
0x64: {  	v20 =	vbroadcast v32, $0x3;
	v22 =	vadd.f32 v24, v22;
	v24 =	vmul.f32 v21, v19  }
0x65: {  	v30 =	vor.u32 s4, v9;
	v29 =	vld.idx.msk [tilespmem:v23+s26+$0x0], $0xffff  }
0x66: {  	v21 =	vbroadcast v32, $0x4;
	v23 =	vadd.f32 v24, v22;
	v24 =	vmul.f32 v25, v20  }
0x67: {  	v22 =	vbroadcast v32, $0x5;
	v25 =	vld.idx.msk [tilespmem:v27+s26+$0x0], $0xffff  }
0x68: {  	v27 =	vor.u32 s4, v10;
	v26 =	vmul.f32 v26, v21;
	v24 =	vadd.f32 v24, v23  }
0x69: {  	v31 =	vor.u32 s4, v11;
	v28 =	vld.idx.msk [tilespmem:v28+s26+$0x0], $0xffff  }
0x6a: {  	v23 =	vbroadcast v32, $0x6;
	v29 =	vmul.f32 v29, v22;
	v26 =	vadd.f32 v26, v24  }
0x6b: {  	v35 =	vor.u32 s4, v12;
	v30 =	vld.idx.msk [tilespmem:v30+s26+$0x0], $0xffff  }
0x6c: {  	v24 =	vbroadcast v32, $0x7;
	v26 =	vadd.f32 v29, v26;
	v29 =	vmul.f32 v25, v23  }
0x6d: {  	v37 =	vor.u32 s4, v13;
	v36 =	vld.idx.msk [tilespmem:v27+s26+$0x0], $0xffff  }
0x6e: {  	v25 =	vbroadcast v32, $0x8;
	v28 =	vmul.f32 v28, v24;
	v27 =	vadd.f32 v29, v26  }
0x6f: {  	v26 =	vbroadcast v32, $0x9;
	v29 =	vld.idx.msk [tilespmem:v31+s26+$0x0], $0xffff  }
0x70: {  	v31 =	vor.u32 s4, v14;
	v30 =	vmul.f32 v30, v25;
	v28 =	vadd.f32 v28, v27  }
0x71: {  	v38 =	vor.u32 s4, v15;
	v35 =	vld.idx.msk [tilespmem:v35+s26+$0x0], $0xffff  }
0x72: {  	v27 =	vbroadcast v32, $0xA;
	v36 =	vmul.f32 v36, v26;
	v30 =	vadd.f32 v30, v28  }
0x73: {  	v39 =	vor.u32 s4, v16;
	v37 =	vld.idx.msk [tilespmem:v37+s26+$0x0], $0xffff  }
0x74: {  	v28 =	vbroadcast v32, $0xB;
	v40 =	vmul.f32 v29, v27;
	v30 =	vadd.f32 v36, v30  }
0x75: {  	v60 =	vld.idx.msk [tilespmem:v31+s26+$0x0], $0xffff  }
0x76: {  	v29 =	vbroadcast v32, $0xC;
	v31 =	vmul.f32 v35, v28;
	v61 =	vadd.f32 v40, v30  }
0x77: {  	v38 =	vld.idx.msk [tilespmem:v38+s26+$0x0], $0xffff  }
0x78: {  	v37 =	vmul.f32 v37, v29;
	v30 =	vbroadcast v32, $0xD;
	v35 =	vadd.f32 v31, v61  }
0x79: {  	v39 =	vld.idx.msk [tilespmem:v39+s26+$0x0], $0xffff  }
0x7a: {  	v31 =	vbroadcast v32, $0xE;
	v36 =	vmul.f32 v60, v30;
	v35 =	vadd.f32 v37, v35;
	_ =	sdelay $0x1  }
0x7b: {  	v32 =	vbroadcast v32, $0xF;
	v62 =	vmul.f32 v38, v31;
	v35 =	vadd.f32 v36, v35;
	_ =	sdelay $0x1  }
0x7c: {  	v63 =	vmul.f32 v39, v32;
	v35 =	vadd.f32 v62, v35;
	_ =	sdelay $0x1  }
0x7d: {  	v35 =	vadd.f32 v63, v35  }
0x7e: {  	s31 =	simm.s32 $0xB580  }
0x7f: {  	s2 =	simm.s32 $0xB590;
	s1 =	simm.s32 $0x100;
	[tilespmem:s31+$0x0] =	vst v35  }
.LBB2_2:
0x80: {  	[tilespmem:v33+s25+$0x0] =	vst.idx.add.f32.msk $0xffff, v35;
	s3 =	sadd.s32 $0x10, s3;
	s0 =	sadd.s32 $0x10, s0;
	s30 =	sadd.s32 $0x10, s30  }
0x81: {  	p1 =	sne.s32 s1, $0x9B00;
	s5 =	smov.u32 s1;
	s1 =	sadd.s32 $0x100, s1;
	[tilespmem:v34+s28+$0x0] =	vst.idx.add.f32.msk $0xffff, v35  }
0x82: {  	v33 =	vld [tilespmem:s0+$0x0]  }
0x83: {  	v35 =	vld [tilespmem:s3+$0x0]  }
0x84: {  	v34 =	vld [tilespmem:s30+$0x0];
	_ =	sdelay $0x2  }
0x85: {  	v36 =	vor.u32 s5, v0;
	_ =	sdelay $0x2  }
0x86: {  	v38 =	vor.u32 s5, v2;
	v37 =	vld.idx.msk [tilespmem:v33+s22+$0x0], $0xffff  }
0x87: {  	v35 =	vld.idx.msk [tilespmem:v35+s4+$0x0], $0xffff  }
0x88: {  	v40 =	vor.u32 s5, v3;
	v39 =	vld.idx.msk [tilespmem:v34+s23+$0x0], $0xffff  }
0x89: {  	v36 =	vld.idx.msk [tilespmem:v36+s26+$0x0], $0xffff  }
0x8a: {  	v41 =	vor.u32 s5, v4  }
0x8b: {  	v38 =	vld.idx.msk [tilespmem:v38+s26+$0x0], $0xffff  }
0x8c: {  	v42 =	vor.u32 s5, v5  }
0x8d: {  	v35 =	vadd.f32 v37, v35;
	v37 =	vld.idx.msk [tilespmem:v40+s26+$0x0], $0xffff  }
0x8e: {  	v40 =	vor.u32 s5, v6  }
0x8f: {  	v35 =	vadd.f32 v39, v35;
	v36 =	vmul.f32 v36, v17;
	v39 =	vld.idx.msk [tilespmem:v41+s26+$0x0], $0xffff  }
0x90: {  	v41 =	vor.u32 s5, v7  }
0x91: {  	v35 =	vadd.f32 v36, v35;
	v36 =	vmul.f32 v38, v18;
	v38 =	vld.idx.msk [tilespmem:v42+s26+$0x0], $0xffff  }
0x92: {  	v42 =	vor.u32 s5, v8  }
0x93: {  	v35 =	vadd.f32 v36, v35;
	v36 =	vmul.f32 v37, v19;
	v37 =	vld.idx.msk [tilespmem:v40+s26+$0x0], $0xffff  }
0x94: {  	v40 =	vor.u32 s5, v9  }
0x95: {  	v35 =	vadd.f32 v36, v35;
	v36 =	vmul.f32 v39, v20;
	v39 =	vld.idx.msk [tilespmem:v41+s26+$0x0], $0xffff;
	v41 =	vor.u32 s5, v10;
	_ =	sdelay $0x1  }
0x96: {  	v35 =	vadd.f32 v36, v35;
	v36 =	vmul.f32 v38, v21;
	v38 =	vld.idx.msk [tilespmem:v42+s26+$0x0], $0xffff;
	v42 =	vor.u32 s5, v11;
	_ =	sdelay $0x1  }
0x97: {  	v35 =	vadd.f32 v36, v35;
	v36 =	vmul.f32 v37, v22;
	v37 =	vld.idx.msk [tilespmem:v40+s26+$0x0], $0xffff;
	v40 =	vor.u32 s5, v12  }
0x98: {  	v41 =	vld.idx.msk [tilespmem:v41+s26+$0x0], $0xffff  }
0x99: {  	v35 =	vadd.f32 v36, v35;
	v36 =	vmul.f32 v39, v23;
	v39 =	vor.u32 s5, v13  }
0x9a: {  	v42 =	vld.idx.msk [tilespmem:v42+s26+$0x0], $0xffff  }
0x9b: {  	v35 =	vadd.f32 v36, v35;
	v36 =	vmul.f32 v38, v24;
	v38 =	vor.u32 s5, v14  }
0x9c: {  	v40 =	vld.idx.msk [tilespmem:v40+s26+$0x0], $0xffff  }
0x9d: {  	v35 =	vadd.f32 v36, v35;
	v36 =	vmul.f32 v37, v25;
	v37 =	vor.u32 s5, v15  }
0x9e: {  	v41 =	vmul.f32 v41, v26;
	v39 =	vld.idx.msk [tilespmem:v39+s26+$0x0], $0xffff  }
0x9f: {  	v35 =	vadd.f32 v36, v35;
	v36 =	vor.u32 s5, v16  }
0xa0: {  	v42 =	vmul.f32 v42, v27;
	v38 =	vld.idx.msk [tilespmem:v38+s26+$0x0], $0xffff  }
0xa1: {  	v35 =	vadd.f32 v41, v35  }
0xa2: {  	v40 =	vmul.f32 v40, v28;
	v37 =	vld.idx.msk [tilespmem:v37+s26+$0x0], $0xffff  }
0xa3: {  	v35 =	vadd.f32 v42, v35  }
0xa4: {  	v39 =	vmul.f32 v39, v29;
	v36 =	vld.idx.msk [tilespmem:v36+s26+$0x0], $0xffff  }
0xa5: {  	v35 =	vadd.f32 v40, v35  }
0xa6: {  	v38 =	vmul.f32 v38, v30  }
0xa7: {  	v35 =	vadd.f32 v39, v35  }
0xa8: {  	v37 =	vmul.f32 v37, v31  }
0xa9: {  	v35 =	vadd.f32 v38, v35  }
0xaa: {  	v36 =	vmul.f32 v36, v32  }
.Ltmp0:
0xab: {  	v35 =	vadd.f32 v37, v35;
	(pc) =	sbr.rel @p1 .LBB2_2-.Ltmp0, $3  }
0xac: {  	_ = 	snop  }
0xad: {  	v35 =	vadd.f32 v36, v35;
	_ =	sdelay $0x1  }
0xae: {  	[tilespmem:s2+$0x0] =	vst v35;
	s2 =	sadd.s32 $0x10, s2  }
0xaf: {  	_ =	sdelay $0x3  }
0xb0: {  	[tilespmem:v33+s25+$0x0] =	vst.idx.add.f32.msk $0xffff, v35  }
0xb1: {  	s30 =	simm.s32 @p0 $0x0;
	s0 =	simm.s32 @p0 $0xC980;
	s31 =	simm.s32 @p0 $0x1;
	[tilespmem:v34+s28+$0x0] =	vst.idx.add.f32.msk $0xffff, v35  }
0xb2: {  	[tilespmem:s0], [sflag:$0x1] =	stream.linear.gather @p0 [hbm4b:s15+s30], $0x9C00, $0x38;
	[tilespmem:$0x16980] =	vst v63  }
0xb3: {  	_ =	swait.ge @p0 [sflag:s31], $0x9C00  }
0xb4: {  	s1 =	simm.s32 @!p0 $0xC980;
	[sflag:s31] =	ssyncset.done @p0 $0x0  }
0xb5: {  	s3 =	simm.s32 @!p0 $0x1;
	s0 =	simm.s32 @!p0 $0x0;
	[sflag:s31] =	ssyncadd.s32 @p0 $0xFFFF6400  }
0xb6: {  	[tilespmem:s1], [sflag:$0x1] =	stream.linear.gather @!p0 [hbm4b:s15+s0], $0xA000, $0x38;
	[tilespmem:$0x16980] =	vst v63  }
0xb7: {  	_ =	swait.ge @!p0 [sflag:s3], $0xA000  }
0xb8: {  	[sflag:s3] =	ssyncset.done @!p0 $0x0  }
0xb9: {  	s1 =	simm.s32 $0x9740;
	[sflag:s3] =	ssyncadd.s32 @!p0 $0xFFFF6000  }
0xba: {  	s2 =	simm.s32 $0x8340;
	v34 =	vld [tilespmem:s1+$0x0]  }
0xbb: {  	v48 =	vld [tilespmem:s2+$0x0]  }
0xbc: {  	s5 =	simm.s32 $0xAB40  }
0xbd: {  	v33 =	vld [tilespmem:s5+$0x0]  }
0xbe: {  	s24 =	simm.s32 $0x0  }
0xbf: {  	v36 =	vor.u32 s24, v0;
	_ =	sdelay $0x2  }
0xc0: {  	v38 =	vor.u32 s24, v2;
	v37 =	vld.idx.msk [tilespmem:v34+s22+$0x0], $0xffff  }
0xc1: {  	v35 =	vld.idx.msk [tilespmem:v48+s4+$0x0], $0xffff  }
0xc2: {  	v40 =	vor.u32 s24, v3;
	v36 =	vld.idx.msk [tilespmem:v36+s26+$0x0], $0xffff  }
0xc3: {  	v39 =	vld.idx.msk [tilespmem:v33+s23+$0x0], $0xffff  }
0xc4: {  	v41 =	vor.u32 s24, v4  }
0xc5: {  	v38 =	vld.idx.msk [tilespmem:v38+s26+$0x0], $0xffff  }
0xc6: {  	v42 =	vor.u32 s24, v5;
	v35 =	vadd.f32 v37, v35  }
0xc7: {  	v49 =	vld.idx.msk [tilespmem:v40+s26+$0x0], $0xffff  }
0xc8: {  	v50 =	vor.u32 s24, v6;
	v36 =	vmul.f32 v36, v17;
	v35 =	vadd.f32 v39, v35  }
0xc9: {  	v51 =	vld.idx.msk [tilespmem:v41+s26+$0x0], $0xffff  }
0xca: {  	v52 =	vor.u32 s24, v7;
	v53 =	vmul.f32 v38, v18;
	v35 =	vadd.f32 v36, v35  }
0xcb: {  	v54 =	vld.idx.msk [tilespmem:v42+s26+$0x0], $0xffff  }
0xcc: {  	v55 =	vor.u32 s24, v8;
	v56 =	vmul.f32 v49, v19;
	v35 =	vadd.f32 v53, v35  }
0xcd: {  	v57 =	vld.idx.msk [tilespmem:v50+s26+$0x0], $0xffff  }
0xce: {  	v58 =	vor.u32 s24, v9;
	v59 =	vmul.f32 v51, v20;
	v35 =	vadd.f32 v56, v35  }
0xcf: {  	v60 =	vld.idx.msk [tilespmem:v52+s26+$0x0], $0xffff  }
0xd0: {  	v61 =	vor.u32 s24, v10;
	v62 =	vmul.f32 v54, v21;
	v35 =	vadd.f32 v59, v35  }
0xd1: {  	v63 =	vld.idx.msk [tilespmem:v55+s26+$0x0], $0xffff  }
0xd2: {  	v45 =	vor.u32 s24, v11;
	v46 =	vmul.f32 v57, v22;
	v35 =	vadd.f32 v62, v35  }
0xd3: {  	v47 =	vld.idx.msk [tilespmem:v58+s26+$0x0], $0xffff  }
0xd4: {  	v49 =	vmul.f32 v60, v23;
	v48 =	vor.u32 s24, v12;
	v35 =	vadd.f32 v46, v35  }
0xd5: {  	v50 =	vld.idx.msk [tilespmem:v61+s26+$0x0], $0xffff  }
0xd6: {  	v51 =	vor.u32 s24, v13;
	v52 =	vmul.f32 v63, v24;
	v35 =	vadd.f32 v49, v35  }
0xd7: {  	v53 =	vld.idx.msk [tilespmem:v45+s26+$0x0], $0xffff  }
0xd8: {  	v54 =	vor.u32 s24, v14;
	v55 =	vmul.f32 v47, v25;
	v35 =	vadd.f32 v52, v35  }
0xd9: {  	v56 =	vld.idx.msk [tilespmem:v48+s26+$0x0], $0xffff  }
0xda: {  	v57 =	vor.u32 s24, v15;
	v39 =	vmul.f32 v50, v26;
	v35 =	vadd.f32 v55, v35  }
0xdb: {  	v58 =	vld.idx.msk [tilespmem:v51+s26+$0x0], $0xffff  }
0xdc: {  	v59 =	vor.u32 s24, v16;
	v38 =	vmul.f32 v53, v27;
	v35 =	vadd.f32 v39, v35  }
0xdd: {  	v60 =	vld.idx.msk [tilespmem:v54+s26+$0x0], $0xffff  }
0xde: {  	v37 =	vmul.f32 v56, v28;
	v35 =	vadd.f32 v38, v35  }
0xdf: {  	v61 =	vld.idx.msk [tilespmem:v57+s26+$0x0], $0xffff  }
0xe0: {  	v36 =	vmul.f32 v58, v29;
	v35 =	vadd.f32 v37, v35  }
0xe1: {  	v62 =	vld.idx.msk [tilespmem:v59+s26+$0x0], $0xffff  }
0xe2: {  	s5 =	simm.s32 @!p0 $0xA0;
	v39 =	vmul.f32 v60, v30;
	v35 =	vadd.f32 v36, v35  }
0xe3: {  	s5 =	simm.s32 @p0 $0x9C  }
0xe4: {  	v63 =	vmul.f32 v61, v31;
	s24 =	sshll.u32 s5, $0x8;
	v35 =	vadd.f32 v39, v35  }
0xe5: {  	p1 =	sne.s32 s24, $0x100  }
.Ltmp1:
0xe6: {  	v37 =	vmul.f32 v62, v32;
	v35 =	vadd.f32 v63, v35;
	(pc) =	sbr.rel @!p1 .LBB2_5-.Ltmp1, $4  }
0xe7: {  	_ = 	snop  }
0xe8: {  	v35 =	vadd.f32 v37, v35  }
0xe9: {  	s6 =	simm.s32 $0xBF40  }
0xea: {  	s7 =	simm.s32 $0xBF50;
	s5 =	simm.s32 $0x100;
	[tilespmem:s6+$0x0] =	vst v35;
	s6 =	simm.s32 $0xAB50  }
.LBB2_4:
0xeb: {  	s2 =	sadd.s32 $0x10, s2  }
0xec: {  	[tilespmem:v34+s25+$0x0] =	vst.idx.add.f32.msk $0xffff, v35;
	s1 =	sadd.s32 $0x10, s1;
	s8 =	smov.u32 s5;
	s5 =	sadd.s32 $0x100, s5  }
0xed: {  	p1 =	sne.s32 s24, s5;
	[tilespmem:v33+s28+$0x0] =	vst.idx.add.f32.msk $0xffff, v35  }
0xee: {  	v34 =	vld [tilespmem:s1+$0x0]  }
0xef: {  	v35 =	vld [tilespmem:s2+$0x0]  }
0xf0: {  	v33 =	vld [tilespmem:s6+$0x0];
	_ =	sdelay $0x2  }
0xf1: {  	v36 =	vor.u32 s8, v0;
	_ =	sdelay $0x2  }
0xf2: {  	v38 =	vor.u32 s8, v2;
	v37 =	vld.idx.msk [tilespmem:v34+s22+$0x0], $0xffff  }
0xf3: {  	v35 =	vld.idx.msk [tilespmem:v35+s4+$0x0], $0xffff  }
0xf4: {  	v40 =	vor.u32 s8, v3;
	v39 =	vld.idx.msk [tilespmem:v33+s23+$0x0], $0xffff  }
0xf5: {  	v36 =	vld.idx.msk [tilespmem:v36+s26+$0x0], $0xffff  }
0xf6: {  	v41 =	vor.u32 s8, v4  }
0xf7: {  	v38 =	vld.idx.msk [tilespmem:v38+s26+$0x0], $0xffff  }
0xf8: {  	v42 =	vor.u32 s8, v5  }
0xf9: {  	v35 =	vadd.f32 v37, v35;
	v37 =	vld.idx.msk [tilespmem:v40+s26+$0x0], $0xffff  }
0xfa: {  	v40 =	vor.u32 s8, v6  }
0xfb: {  	v35 =	vadd.f32 v39, v35;
	v36 =	vmul.f32 v36, v17;
	v39 =	vld.idx.msk [tilespmem:v41+s26+$0x0], $0xffff  }
0xfc: {  	v41 =	vor.u32 s8, v7  }
0xfd: {  	v35 =	vadd.f32 v36, v35;
	v36 =	vmul.f32 v38, v18;
	v38 =	vld.idx.msk [tilespmem:v42+s26+$0x0], $0xffff  }
0xfe: {  	v42 =	vor.u32 s8, v8  }
0xff: {  	v35 =	vadd.f32 v36, v35;
	v36 =	vmul.f32 v37, v19;
	v37 =	vld.idx.msk [tilespmem:v40+s26+$0x0], $0xffff  }
0x100: {  	v40 =	vor.u32 s8, v9  }
0x101: {  	v35 =	vadd.f32 v36, v35;
	v36 =	vmul.f32 v39, v20;
	v39 =	vld.idx.msk [tilespmem:v41+s26+$0x0], $0xffff;
	v41 =	vor.u32 s8, v10;
	_ =	sdelay $0x1  }
0x102: {  	v35 =	vadd.f32 v36, v35;
	v36 =	vmul.f32 v38, v21;
	v38 =	vld.idx.msk [tilespmem:v42+s26+$0x0], $0xffff;
	v42 =	vor.u32 s8, v11;
	_ =	sdelay $0x1  }
0x103: {  	v35 =	vadd.f32 v36, v35;
	v36 =	vmul.f32 v37, v22;
	v37 =	vld.idx.msk [tilespmem:v40+s26+$0x0], $0xffff;
	v40 =	vor.u32 s8, v12  }
0x104: {  	v41 =	vld.idx.msk [tilespmem:v41+s26+$0x0], $0xffff  }
0x105: {  	v35 =	vadd.f32 v36, v35;
	v36 =	vmul.f32 v39, v23;
	v39 =	vor.u32 s8, v13  }
0x106: {  	v42 =	vld.idx.msk [tilespmem:v42+s26+$0x0], $0xffff  }
0x107: {  	v35 =	vadd.f32 v36, v35;
	v36 =	vmul.f32 v38, v24;
	v38 =	vor.u32 s8, v14  }
0x108: {  	v40 =	vld.idx.msk [tilespmem:v40+s26+$0x0], $0xffff  }
0x109: {  	v35 =	vadd.f32 v36, v35;
	v36 =	vmul.f32 v37, v25;
	v37 =	vor.u32 s8, v15  }
0x10a: {  	v41 =	vmul.f32 v41, v26;
	v39 =	vld.idx.msk [tilespmem:v39+s26+$0x0], $0xffff  }
0x10b: {  	v35 =	vadd.f32 v36, v35;
	v36 =	vor.u32 s8, v16  }
0x10c: {  	v42 =	vmul.f32 v42, v27;
	v38 =	vld.idx.msk [tilespmem:v38+s26+$0x0], $0xffff  }
0x10d: {  	v35 =	vadd.f32 v41, v35  }
0x10e: {  	v40 =	vmul.f32 v40, v28;
	v37 =	vld.idx.msk [tilespmem:v37+s26+$0x0], $0xffff  }
0x10f: {  	v35 =	vadd.f32 v42, v35  }
0x110: {  	v39 =	vmul.f32 v39, v29;
	v36 =	vld.idx.msk [tilespmem:v36+s26+$0x0], $0xffff  }
0x111: {  	v35 =	vadd.f32 v40, v35  }
0x112: {  	v38 =	vmul.f32 v38, v30  }
0x113: {  	v35 =	vadd.f32 v39, v35  }
0x114: {  	v37 =	vmul.f32 v37, v31  }
0x115: {  	v35 =	vadd.f32 v38, v35  }
0x116: {  	v36 =	vmul.f32 v36, v32  }
.Ltmp2:
0x117: {  	v35 =	vadd.f32 v37, v35;
	(pc) =	sbr.rel @p1 .LBB2_4-.Ltmp2, $3  }
0x118: {  	_ = 	snop  }
0x119: {  	v35 =	vadd.f32 v36, v35;
	_ =	sdelay $0x1  }
0x11a: {  	s6 =	sadd.s32 $0x10, s6;
	[tilespmem:s7+$0x0] =	vst v35;
	s7 =	sadd.s32 $0x10, s7  }
.LBB2_5:
0x11b: {  	_ =	sdelay $0x3  }
0x11c: {  	[tilespmem:v34+s25+$0x0] =	vst.idx.add.f32.msk $0xffff, v35  }
0x11d: {  	s1 =	simm.s32 @p0 $0xB580;
	[tilespmem:v33+s28+$0x0] =	vst.idx.add.f32.msk $0xffff, v35  }
0x11e: {  	[hbm4b:s17+s30] =	stream.linear.scatter @p0 [tilespmem:s1], [sflag:$0x1], $0x1380, $0x38;
	[tilespmem:$0x16980] =	vst v63  }
0x11f: {  	_ =	swait.ge @p0 [sflag:s31], $0x1380  }
0x120: {  	[sflag:s31] =	ssyncset.done @p0 $0x0  }
0x121: {  	s1 =	simm.s32 @!p0 $0xB580;
	[sflag:s31] =	ssyncadd.s32 @p0 $0xFFFFEC80  }
0x122: {  	[hbm4b:s16+s0] =	stream.linear.scatter @!p0 [tilespmem:s1], [sflag:$0x1], $0x13C0, $0x38;
	[tilespmem:$0x16980] =	vst v63  }
0x123: {  	_ =	swait.ge @!p0 [sflag:s3], $0x13C0  }
0x124: {  	[sflag:s3] =	ssyncset.done @!p0 $0x0  }
0x125: {  	[sflag:s3] =	ssyncadd.s32 @!p0 $0xFFFFEC40  }
0x126: {  	[hbm4b:s18+s4] =	stream.linear.scatter [tilespmem:s25], [sflag:$0x1], $0x2800, $0x38;
	[tilespmem:$0x16980] =	vst v63  }
0x127: {  	s29 =	sadd.s32 $0x1, s29;
	_ =	swait.ge [sflag:s21], $0x2800  }
0x128: {  	p1 =	sne.s32 s29, s20;
	[sflag:s21] =	ssyncset.done $0x0  }
.Ltmp3:
0x129: {  	[sflag:s21] =	ssyncadd.s32 $0xFFFFD800;
	(pc) =	sbr.rel @p1 .LBB2_1-.Ltmp3, $4  }
0x12a: {  	[hbm4b:s19+s4] =	stream.linear.scatter [tilespmem:s28], [sflag:$0x1], $0x80, $0x38;
	[tilespmem:$0x16980] =	vst v63  }
0x12b: {  	_ =	swait.ge [sflag:s21], $0x80  }
0x12c: {  	[sflag:s21] =	ssyncset.done $0x0  }
0x12d: {  	[sflag:s21] =	ssyncadd.s32 $0xFFFFFF80  }
0x12e: {  	_ =	sfence.sel $0x180000  }
0x12f: {  	[bflag:$0x0] =	sbarrier.arrive $0xFFFF  }
0x130: {  	_ =	strace $0x90000047  }
0x131: {  	s0 =	stileid.u32;
	[bflag:$0x2] =	sbarrier.arrive $0xFFFF  }
0x132: {  	p0 =	sne.s32 s0, $0x0;
	s0 =	rddreg [dreg:$0x5]  }
0x133: {  	s0 =	sadd.s32 @!p0 $0x100000, s0  }
0x134: {  	[sflag:s0] =	ssyncadd.tile.s32 @!p0 $0x1;
	_ =	shalt  }
.Lfunc_end2:
_tile_overlayer_lowered:
.L_overlay_start_2:
0x135: {  	(tag) =	ssettag $0x2  }
0x136: {  	s0 =	rddreg [dreg:$0x0];
	s2 =	stileid.u32  }
0x137: {  	s1 =	rddreg [dreg:$0x1];
	p0 =	sne.s32 s2, $0x0  }
0x138: {  	s3 =	rddreg [dreg:$0x2];
	[bflag:$0x3] =	sbarrier.arrive $0xFFFF;
	s2 =	simm.s32 @!p0 $0x1C01  }
0x139: {  	[timem:s3], [sflag:s2] =	dma.local @!p0 [hbm:s0], s1  }
0x13a: {  	s0 =	simm.s32 @!p0 $0x1  }
0x13b: {  	_ =	swait.ge @!p0 [sflag:s0], s1  }
0x13c: {  	s1 =	ssub.s32 @!p0 $0x0, s1;
	[sflag:s0] =	ssyncset.done @!p0 $0x0  }
0x13d: {  	[sflag:s0] =	ssyncadd.s32 @!p0 s1  }
0x13e: {  	[bflag:$0x3] =	sbarrier.arrive $0xFFFF  }
0x13f: {  	_ =	shalt  }

</sc_bundles>
